<compile_context>
chip_gen: v7x
topology: tpu7x:2x2x1
jax: 0.10.2.dev20260603
libtpu: 0.0.44.dev20260713+nightly
codegen_flags: <defaults>
</compile_context>

<pallas_src>
import functools

import jax
import jax.numpy as jnp
from jax import lax
from jax.experimental import pallas as pl
from jax.experimental.pallas import tpu as pltpu
from jax.experimental.pallas import tpu_sc as plsc

NC = 2
NS = 16
NW = NC * NS
CH = 640
DW = 16
NG0 = 16
NG1 = 16
NGT = NS * (NG0 + NG1)
NGMAX = max(NG0, NG1)


def _sc_mesh():
    return plsc.VectorSubcoreMesh(core_axis_name="c", subcore_axis_name="s")


@functools.lru_cache(maxsize=None)
def _make_deg(n_pad, gpw):
    zrows = n_pad // NS

    @functools.partial(
        pl.kernel,
        out_type=jax.ShapeDtypeStruct((NC * n_pad, DW), jnp.float32),
        mesh=_sc_mesh(),
        compiler_params=pltpu.CompilerParams(use_tc_tiling_on_sc=False),
        scratch_types=[
            pltpu.VMEM((gpw, CH), jnp.int32),
            pltpu.VMEM((CH, DW), jnp.float32),
            pltpu.VMEM_SHARED((n_pad, DW), jnp.float32),
            pltpu.SemaphoreType.DMA,
        ],
    )
    def deg_kernel(dst_hbm, ones_hbm, zero_hbm, out_hbm, didx, ones_v, acc, sem):
        cid = lax.axis_index("c")
        sid = lax.axis_index("s")
        wid = cid * NS + sid
        pltpu.sync_copy(zero_hbm.at[pl.ds(sid * zrows, zrows)],
                        acc.at[pl.ds(sid * zrows, zrows)])
        pltpu.sync_copy(dst_hbm.at[pl.ds(wid * gpw, gpw)], didx)
        pltpu.sync_copy(ones_hbm, ones_v)
        plsc.subcore_barrier()

        def fire(j, carry):
            pltpu.async_copy(ones_v, acc.at[didx.at[j]], sem, add=True)
            return carry

        lax.fori_loop(0, gpw, fire, 0)

        def drain(j, carry):
            pltpu.make_async_copy(ones_v, acc.at[didx.at[j]], sem).wait()
            return carry

        lax.fori_loop(0, gpw, drain, 0)
        plsc.subcore_barrier()
        pltpu.sync_copy(acc.at[pl.ds(sid * zrows, zrows)],
                        out_hbm.at[pl.ds(cid * n_pad + sid * zrows, zrows)])

    return deg_kernel


K = 128
NBUF = 4


@functools.lru_cache(maxsize=None)
def _make_agg(n_pad, d):
    zrows = n_pad // NS
    e_w = NG0 * CH
    nk = e_w // K
    assert nk % NBUF == 0 and NG0 == NG1

    @functools.partial(
        pl.kernel,
        out_type=jax.ShapeDtypeStruct((NC * n_pad, d), jnp.float32),
        mesh=_sc_mesh(),
        compiler_params=pltpu.CompilerParams(use_tc_tiling_on_sc=False),
        scratch_types=(
            [pltpu.VMEM((e_w,), jnp.int32),
             pltpu.VMEM((nk, K), jnp.int32)]
            + [pltpu.VMEM((K, d), jnp.float32)] * NBUF
            + [pltpu.VMEM_SHARED((n_pad, d), jnp.float32)]
            + [pltpu.SemaphoreType.DMA] * NBUF
        ),
    )
    def agg_kernel(src_hbm, dst_hbm, h_hbm, zero_hbm, out_hbm,
                   sidx, didx, *rest):
        rows = rest[:NBUF]
        acc = rest[NBUF]
        sems = rest[NBUF + 1:]
        cid = lax.axis_index("c")
        sid = lax.axis_index("s")
        wid = cid * NS + sid
        base = wid * e_w
        pltpu.sync_copy(zero_hbm.at[pl.ds(sid * zrows, zrows)],
                        acc.at[pl.ds(sid * zrows, zrows)])
        pltpu.sync_copy(src_hbm.at[pl.ds(base, e_w)], sidx)
        pltpu.sync_copy(dst_hbm.at[pl.ds(base // K, nk)], didx)
        plsc.subcore_barrier()

        def fire(j, buf):
            off = jnp.minimum(j, nk - 1) * K
            pltpu.async_copy(h_hbm.at[sidx.at[pl.ds(off, K)]],
                             rows[buf], sems[buf])

        for b in range(NBUF - 1):
            fire(b, b)

        def body(t, carry):
            for b in range(NBUF):
                j = NBUF * t + b
                fire(j + NBUF - 1, (b + NBUF - 1) % NBUF)
                pltpu.make_async_copy(h_hbm.at[sidx.at[pl.ds(0, K)]],
                                      rows[b], sems[b]).wait()
                pltpu.sync_copy(rows[b], acc.at[didx.at[j]], add=True)
            return carry

        lax.fori_loop(0, nk // NBUF, body, 0)
        for b in range(NBUF - 1):
            pltpu.make_async_copy(h_hbm.at[sidx.at[pl.ds(0, K)]],
                                  rows[b], sems[b]).wait()
        plsc.subcore_barrier()
        pltpu.sync_copy(acc.at[pl.ds(sid * zrows, zrows)],
                        out_hbm.at[pl.ds(cid * n_pad + sid * zrows, zrows)])

    return agg_kernel


def _tc1_body(x_ref, w_ref, deg_ref, h_ref, dis_ref):
    deg = deg_ref[0, :, :1] + deg_ref[1, :, :1] + 1.0
    dis = lax.rsqrt(deg)
    dis_ref[...] = dis
    h_ref[...] = dis * jnp.dot(x_ref[...], w_ref[...],
                               preferred_element_type=jnp.float32)


def _tc2_body(a_ref, h1s_ref, dis_ref, b1_ref, w2_ref, out_ref):
    dis = dis_ref[...]
    h = dis * (a_ref[0] + a_ref[1] + h1s_ref[...]) + b1_ref[...]
    h = jnp.maximum(h, 0.0)
    out_ref[...] = dis * jnp.dot(h, w2_ref[...],
                                 preferred_element_type=jnp.float32)


def _tc3_body(a_ref, h2s_ref, dis_ref, b2_ref, out_ref):
    dis = dis_ref[...]
    t = dis * (a_ref[0] + a_ref[1] + h2s_ref[...]) + b2_ref[...]
    m = jnp.max(t, axis=1, keepdims=True)
    lse = jnp.log(jnp.sum(jnp.exp(t - m), axis=1, keepdims=True)) + m
    out_ref[...] = t - lse


def kernel(x, edge_index, W1, b1, W2, b2):
    N, d_in = x.shape
    d_h = W1.shape[1]
    d_out = W2.shape[1]
    E = edge_index.shape[1]
    f32 = jnp.float32

    assert E <= NGT * CH
    gpw = NGT // NW
    le = NGT * CH
    n_pad = -(-(N + 1) // 128) * 128
    pad = le - E

    src_p = jnp.concatenate([edge_index[0],
                             jnp.zeros((pad,), edge_index.dtype)])
    dst_f = jnp.concatenate([edge_index[1],
                             jnp.full((pad,), N, edge_index.dtype)])
    dst_p = dst_f.reshape(le // CH, CH)
    dst_a = dst_f.reshape(le // K, K)

    degs = _make_deg(n_pad, gpw)(
        dst_p, jnp.ones((CH, DW), f32), jnp.zeros((n_pad, DW), f32))
    degs3 = degs.reshape(NC, n_pad, DW)

    R = 2000
    grid = (N // R,)
    h1s, dis = pl.pallas_call(
        _tc1_body,
        grid=grid,
        in_specs=[
            pl.BlockSpec((R, d_in), lambda i: (i, 0)),
            pl.BlockSpec((d_in, d_h), lambda i: (0, 0)),
            pl.BlockSpec((NC, R, DW), lambda i: (0, i, 0)),
        ],
        out_specs=[
            pl.BlockSpec((R, d_h), lambda i: (i, 0)),
            pl.BlockSpec((R, 1), lambda i: (i, 0)),
        ],
        out_shape=[
            jax.ShapeDtypeStruct((N, d_h), f32),
            jax.ShapeDtypeStruct((N, 1), f32),
        ],
    )(x, W1, degs3)

    agg1 = _make_agg(n_pad, d_h)(
        src_p, dst_a, h1s, jnp.zeros((n_pad, d_h), f32))

    h2s = pl.pallas_call(
        _tc2_body,
        grid=grid,
        in_specs=[
            pl.BlockSpec((NC, R, d_h), lambda i: (0, i, 0)),
            pl.BlockSpec((R, d_h), lambda i: (i, 0)),
            pl.BlockSpec((R, 1), lambda i: (i, 0)),
            pl.BlockSpec((1, d_h), lambda i: (0, 0)),
            pl.BlockSpec((d_h, d_out), lambda i: (0, 0)),
        ],
        out_specs=pl.BlockSpec((R, d_out), lambda i: (i, 0)),
        out_shape=jax.ShapeDtypeStruct((N, d_out), f32),
    )(agg1.reshape(NC, n_pad, d_h), h1s, dis, b1.reshape(1, d_h), W2)

    agg2 = _make_agg(n_pad, d_out)(
        src_p, dst_a, h2s, jnp.zeros((n_pad, d_out), f32))

    out = pl.pallas_call(
        _tc3_body,
        grid=grid,
        in_specs=[
            pl.BlockSpec((NC, R, d_out), lambda i: (0, i, 0)),
            pl.BlockSpec((R, d_out), lambda i: (i, 0)),
            pl.BlockSpec((R, 1), lambda i: (i, 0)),
            pl.BlockSpec((1, d_out), lambda i: (0, 0)),
        ],
        out_specs=pl.BlockSpec((R, d_out), lambda i: (i, 0)),
        out_shape=jax.ShapeDtypeStruct((N, d_out), f32),
    )(agg2.reshape(NC, n_pad, d_out), h2s, dis, b2.reshape(1, d_out))

    return out

# --- scband reference (transcript-rebuilt; emitter-appended) ---
"""Pipeline reference for scband-net-30288109371815 (READ-ONLY COPY).

The authoritative reference and input builder live on the scoring server;
editing this copy changes nothing except your own understanding.
"""

import jax, jax.numpy as jnp
import numpy as np

N = 10000
E = 320000
D_IN = 128
D_HID = 32
D_OUT = 40


def _gcn_conv(x, edge_index, W, b):
    # GCNConv with normalize=True and add_self_loops (PyG semantics)
    src = edge_index[0]
    dst = edge_index[1]
    self_idx = jnp.arange(N, dtype=edge_index.dtype)
    s = jnp.concatenate([src, self_idx])
    d = jnp.concatenate([dst, self_idx])
    # degree with self-loops (edge weight = 1)
    deg = jnp.zeros((N,), dtype=x.dtype).at[d].add(1.0)
    deg_inv_sqrt = jnp.where(deg > 0, jax.lax.rsqrt(jnp.maximum(deg, 1e-12)), 0.0)
    norm = deg_inv_sqrt[s] * deg_inv_sqrt[d]
    h = x @ W
    msg = h[s] * norm[:, None]
    out = jnp.zeros((N, W.shape[1]), dtype=x.dtype).at[d].add(msg)
    return out + b


def setup_inputs(seed: int = 0) -> dict:
    key = jax.random.key(seed)
    k1, k2, k3, k4 = jax.random.split(key, 4)
    x = jax.random.normal(k1, (N, D_IN), dtype=jnp.float32)
    edge_index = jax.random.randint(k2, (2, E), 0, N, dtype=jnp.int32)
    # glorot-uniform weights, zero bias (GCNConv defaults)
    lim1 = float(np.sqrt(6.0 / (D_IN + D_HID)))
    W1 = jax.random.uniform(k3, (D_IN, D_HID), dtype=jnp.float32, minval=-lim1, maxval=lim1)
    b1 = jnp.zeros((D_HID,), dtype=jnp.float32)
    lim2 = float(np.sqrt(6.0 / (D_HID + D_OUT)))
    W2 = jax.random.uniform(k4, (D_HID, D_OUT), dtype=jnp.float32, minval=-lim2, maxval=lim2)
    b2 = jnp.zeros((D_OUT,), dtype=jnp.float32)
    return {"x": x, "edge_index": edge_index, "W1": W1, "b1": b1, "W2": W2, "b2": b2}


def reference(x, edge_index, W1, b1, W2, b2):
    # CRD: GCNConv -> ReLU (dropout is identity in eval mode)
    h = jax.nn.relu(_gcn_conv(x, edge_index, W1, b1))
    # CLS: GCNConv -> log_softmax
    out = _gcn_conv(h, edge_index, W2, b2)
    return jax.nn.log_softmax(out, axis=1)

if __name__ == "__main__":
    import jax
    _d = setup_inputs()
    print(jax.jit(kernel)(*tuple(_d.values())))

</pallas_src>

<mosaic_0001>
#map = affine_map<(d0, d1) -> (0, 0)>
module attributes {stable_mosaic.version = 14 : i64} {
  func.func @deg_kernel(%arg0: i32, %arg1: i32, %arg2: memref<512x640xi32, #tpu.memory_space<hbm>>, %arg3: memref<640x16xf32, #tpu.memory_space<hbm>>, %arg4: memref<10112x16xf32, #tpu.memory_space<hbm>>, %arg5: memref<20224x16xf32, #tpu.memory_space<hbm>>, %arg6: memref<16x640xi32, #tpu.memory_space<vmem>>, %arg7: memref<640x16xf32, #tpu.memory_space<vmem>>, %arg8: memref<10112x16xf32, #tpu.memory_space<vmem_shared>>, %arg9: memref<!tpu.dma_semaphore, #tpu.memory_space<semaphore_mem>>) attributes {dimension_semantics = [#tpu.dimension_semantics<core_parallel>, #tpu.dimension_semantics<subcore_parallel>], iteration_bounds = array<i64: 2, 16>, scalar_prefetch = 0 : i64, scratch_operands = 4 : i64, tpu.core_type = #tpu.core_type<sc_vector_subcore>, window_params = [{transform_indices = #map}, {transform_indices = #map}, {transform_indices = #map}, {transform_indices = #map}]} {
    %mul3A = arith.constant 16 : i32
    %mul3A_0 = arith.muli %arg0, %mul3A : i32
    %add3A = arith.addi %mul3A_0, %arg1 : i32
    %mul3A_1 = arith.constant 632 : i32
    %mul3A_2 = arith.muli %arg1, %mul3A_1 : i32
    %mul3A_3 = arith.constant 632 : i32
    %mul3A_4 = arith.muli %arg1, %mul3A_3 : i32
    "tpu.region"() ({
      %run_scoped3A = tpu.sem_alloc : memref<!tpu.dma_semaphore, #tpu.memory_space<semaphore_mem>>
      %dma_start3A = arith.constant 0 : i32
      %dma_start3A_26 = tpu.memref_slice %arg8[%mul3A_4, %dma_start3A] : memref<10112x16xf32, #tpu.memory_space<vmem_shared>> -> memref<632x16xf32, #tpu.memory_space<vmem_shared>>
      %dma_start3A_27 = arith.constant 0 : i32
      %dma_start3A_28 = tpu.memref_slice %arg4[%mul3A_2, %dma_start3A_27] : memref<10112x16xf32, #tpu.memory_space<hbm>> -> memref<632x16xf32, #tpu.memory_space<hbm>>
      tpu.enqueue_dma source(%dma_start3A_28 : memref<632x16xf32, #tpu.memory_space<hbm>>) target(%dma_start3A_26 : memref<632x16xf32, #tpu.memory_space<vmem_shared>>) target_semaphore(%run_scoped3A : memref<!tpu.dma_semaphore, #tpu.memory_space<semaphore_mem>>)
      %dma_wait3A = arith.constant 0 : i32
      %dma_wait3A_29 = tpu.memref_slice %arg8[%mul3A_4, %dma_wait3A] : memref<10112x16xf32, #tpu.memory_space<vmem_shared>> -> memref<632x16xf32, #tpu.memory_space<vmem_shared>>
      %dma_wait3A_30 = arith.constant 0 : i32
      %dma_wait3A_31 = tpu.memref_slice %arg4[%mul3A_2, %dma_wait3A_30] : memref<10112x16xf32, #tpu.memory_space<hbm>> -> memref<632x16xf32, #tpu.memory_space<hbm>>
      tpu.wait_dma2 semaphore(%run_scoped3A : memref<!tpu.dma_semaphore, #tpu.memory_space<semaphore_mem>>) src(%dma_wait3A_31 : memref<632x16xf32, #tpu.memory_space<hbm>>) dst(%dma_wait3A_29 : memref<632x16xf32, #tpu.memory_space<vmem_shared>>)
      tpu.yield
    }) : () -> ()
    %mul3A_5 = arith.constant 16 : i32
    %mul3A_6 = arith.muli %add3A, %mul3A_5 : i32
    "tpu.region"() ({
      %run_scoped3A = tpu.sem_alloc : memref<!tpu.dma_semaphore, #tpu.memory_space<semaphore_mem>>
      %dma_start3A = arith.constant 0 : i32
      %dma_start3A_26 = tpu.memref_slice %arg2[%mul3A_6, %dma_start3A] : memref<512x640xi32, #tpu.memory_space<hbm>> -> memref<16x640xi32, #tpu.memory_space<hbm>>
      %dma_start3A_27 = arith.constant 0 : i32
      %dma_start3A_28 = tpu.memref_slice %arg2[%mul3A_6, %dma_start3A_27] : memref<512x640xi32, #tpu.memory_space<hbm>> -> memref<16x640xi32, #tpu.memory_space<hbm>>
      tpu.enqueue_dma source(%dma_start3A_28 : memref<16x640xi32, #tpu.memory_space<hbm>>) target(%arg6 : memref<16x640xi32, #tpu.memory_space<vmem>>) target_semaphore(%run_scoped3A : memref<!tpu.dma_semaphore, #tpu.memory_space<semaphore_mem>>)
      %dma_wait3A = arith.constant 0 : i32
      %dma_wait3A_29 = tpu.memref_slice %arg2[%mul3A_6, %dma_wait3A] : memref<512x640xi32, #tpu.memory_space<hbm>> -> memref<16x640xi32, #tpu.memory_space<hbm>>
      %dma_wait3A_30 = arith.constant 0 : i32
      %dma_wait3A_31 = tpu.memref_slice %arg2[%mul3A_6, %dma_wait3A_30] : memref<512x640xi32, #tpu.memory_space<hbm>> -> memref<16x640xi32, #tpu.memory_space<hbm>>
      tpu.wait_dma2 semaphore(%run_scoped3A : memref<!tpu.dma_semaphore, #tpu.memory_space<semaphore_mem>>) src(%dma_wait3A_31 : memref<16x640xi32, #tpu.memory_space<hbm>>) dst(%arg6 : memref<16x640xi32, #tpu.memory_space<vmem>>)
      tpu.yield
    }) : () -> ()
    "tpu.region"() ({
      %run_scoped3A = tpu.sem_alloc : memref<!tpu.dma_semaphore, #tpu.memory_space<semaphore_mem>>
      tpu.enqueue_dma source(%arg3 : memref<640x16xf32, #tpu.memory_space<hbm>>) target(%arg7 : memref<640x16xf32, #tpu.memory_space<vmem>>) target_semaphore(%run_scoped3A : memref<!tpu.dma_semaphore, #tpu.memory_space<semaphore_mem>>)
      tpu.wait_dma2 semaphore(%run_scoped3A : memref<!tpu.dma_semaphore, #tpu.memory_space<semaphore_mem>>) src(%arg3 : memref<640x16xf32, #tpu.memory_space<hbm>>) dst(%arg7 : memref<640x16xf32, #tpu.memory_space<vmem>>)
      tpu.yield
    }) : () -> ()
    %barrier3A = arith.constant 0 : index
    tpu.barrier barrier_id(%barrier3A)
    %scan3A = arith.constant 0 : i32
    %scan3A_7 = arith.constant 0 : i32
    %scan3A_8 = arith.constant 16 : i32
    %scan3A_9 = arith.addi %scan3A_7, %scan3A_8 : i32
    %scan3A_10 = arith.constant 1 : i32
    scf.for %scan3A_26 = %scan3A_7 to %scan3A_9 step %scan3A_10  : i32 {
      %dma_start3A = arith.constant 0 : i32
      %dma_start3A_27 = tpu.memref_slice %arg6[%scan3A_26, %dma_start3A] : memref<16x640xi32, #tpu.memory_space<vmem>> -> memref<1x640xi32, #tpu.memory_space<vmem>>
      %dma_start3A_28 = tpu.memref_squeeze %dma_start3A_27 : memref<1x640xi32, #tpu.memory_space<vmem>> -> memref<640xi32, #tpu.memory_space<vmem>>
      %dma_start3A_29 = arith.constant 0 : i32
      %dma_start3A_30 = arith.constant 0 : i32
      %dma_start3A_31 = tpu.memref_slice %arg8[%dma_start3A_29, %dma_start3A_30] : memref<10112x16xf32, #tpu.memory_space<vmem_shared>> -> memref<10112x16xf32, #tpu.memory_space<vmem_shared>>
      tpu.enqueue_indirect_dma source(%arg7 : memref<640x16xf32, #tpu.memory_space<vmem>>) target(%dma_start3A_31 : memref<10112x16xf32, #tpu.memory_space<vmem_shared>>) offsets(%dma_start3A_28 : memref<640xi32, #tpu.memory_space<vmem>>) semaphore(%arg9 : memref<!tpu.dma_semaphore, #tpu.memory_space<semaphore_mem>>) {add = true}
    }
    %scan3A_11 = arith.constant 16 : i32
    %scan3A_12 = arith.constant 0 : i32
    %scan3A_13 = arith.constant 0 : i32
    %scan3A_14 = arith.constant 16 : i32
    %scan3A_15 = arith.addi %scan3A_13, %scan3A_14 : i32
    %scan3A_16 = arith.constant 1 : i32
    scf.for %scan3A_26 = %scan3A_13 to %scan3A_15 step %scan3A_16  : i32 {
      %dma_wait3A = arith.constant 0 : i32
      %dma_wait3A_27 = tpu.memref_slice %arg6[%scan3A_26, %dma_wait3A] : memref<16x640xi32, #tpu.memory_space<vmem>> -> memref<1x640xi32, #tpu.memory_space<vmem>>
      %dma_wait3A_28 = tpu.memref_squeeze %dma_wait3A_27 : memref<1x640xi32, #tpu.memory_space<vmem>> -> memref<640xi32, #tpu.memory_space<vmem>>
      %dma_wait3A_29 = arith.constant 0 : i32
      %dma_wait3A_30 = arith.constant 0 : i32
      %dma_wait3A_31 = tpu.memref_slice %arg8[%dma_wait3A_29, %dma_wait3A_30] : memref<10112x16xf32, #tpu.memory_space<vmem_shared>> -> memref<10112x16xf32, #tpu.memory_space<vmem_shared>>
      tpu.wait_indirect_dma semaphore(%arg9 : memref<!tpu.dma_semaphore, #tpu.memory_space<semaphore_mem>>) src(%arg7 : memref<640x16xf32, #tpu.memory_space<vmem>>) dst(%dma_wait3A_31 : memref<10112x16xf32, #tpu.memory_space<vmem_shared>>)
    }
    %scan3A_17 = arith.constant 16 : i32
    %barrier3A_18 = arith.constant 0 : index
    tpu.barrier barrier_id(%barrier3A_18)
    %mul3A_19 = arith.constant 632 : i32
    %mul3A_20 = arith.muli %arg1, %mul3A_19 : i32
    %mul3A_21 = arith.constant 10112 : i32
    %mul3A_22 = arith.muli %arg0, %mul3A_21 : i32
    %mul3A_23 = arith.constant 632 : i32
    %mul3A_24 = arith.muli %arg1, %mul3A_23 : i32
    %add3A_25 = arith.addi %mul3A_22, %mul3A_24 : i32
    "tpu.region"() ({
      %run_scoped3A = tpu.sem_alloc : memref<!tpu.dma_semaphore, #tpu.memory_space<semaphore_mem>>
      %dma_start3A = arith.constant 0 : i32
      %dma_start3A_26 = tpu.memref_slice %arg5[%add3A_25, %dma_start3A] : memref<20224x16xf32, #tpu.memory_space<hbm>> -> memref<632x16xf32, #tpu.memory_space<hbm>>
      %dma_start3A_27 = arith.constant 0 : i32
      %dma_start3A_28 = tpu.memref_slice %arg8[%mul3A_20, %dma_start3A_27] : memref<10112x16xf32, #tpu.memory_space<vmem_shared>> -> memref<632x16xf32, #tpu.memory_space<vmem_shared>>
      tpu.enqueue_dma source(%dma_start3A_28 : memref<632x16xf32, #tpu.memory_space<vmem_shared>>) target(%dma_start3A_26 : memref<632x16xf32, #tpu.memory_space<hbm>>) target_semaphore(%run_scoped3A : memref<!tpu.dma_semaphore, #tpu.memory_space<semaphore_mem>>)
      %dma_wait3A = arith.constant 0 : i32
      %dma_wait3A_29 = tpu.memref_slice %arg5[%add3A_25, %dma_wait3A] : memref<20224x16xf32, #tpu.memory_space<hbm>> -> memref<632x16xf32, #tpu.memory_space<hbm>>
      %dma_wait3A_30 = arith.constant 0 : i32
      %dma_wait3A_31 = tpu.memref_slice %arg8[%mul3A_20, %dma_wait3A_30] : memref<10112x16xf32, #tpu.memory_space<vmem_shared>> -> memref<632x16xf32, #tpu.memory_space<vmem_shared>>
      tpu.wait_dma2 semaphore(%run_scoped3A : memref<!tpu.dma_semaphore, #tpu.memory_space<semaphore_mem>>) src(%dma_wait3A_31 : memref<632x16xf32, #tpu.memory_space<vmem_shared>>) dst(%dma_wait3A_29 : memref<632x16xf32, #tpu.memory_space<hbm>>)
      tpu.yield
    }) : () -> ()
    return
  }
}

#map = affine_map<(d0, d1) -> (0)>
#map1 = affine_map<(d0, d1) -> (0, 0)>
module attributes {stable_mosaic.version = 14 : i64} {
  func.func @agg_kernel(%arg0: i32, %arg1: i32, %arg2: memref<327680xi32, #tpu.memory_space<hbm>>, %arg3: memref<2560x128xi32, #tpu.memory_space<hbm>>, %arg4: memref<10000x40xf32, #tpu.memory_space<hbm>>, %arg5: memref<10112x40xf32, #tpu.memory_space<hbm>>, %arg6: memref<20224x40xf32, #tpu.memory_space<hbm>>, %arg7: memref<10240xi32, #tpu.memory_space<vmem>>, %arg8: memref<80x128xi32, #tpu.memory_space<vmem>>, %arg9: memref<128x40xf32, #tpu.memory_space<vmem>>, %arg10: memref<128x40xf32, #tpu.memory_space<vmem>>, %arg11: memref<128x40xf32, #tpu.memory_space<vmem>>, %arg12: memref<128x40xf32, #tpu.memory_space<vmem>>, %arg13: memref<10112x40xf32, #tpu.memory_space<vmem_shared>>, %arg14: memref<!tpu.dma_semaphore, #tpu.memory_space<semaphore_mem>>, %arg15: memref<!tpu.dma_semaphore, #tpu.memory_space<semaphore_mem>>, %arg16: memref<!tpu.dma_semaphore, #tpu.memory_space<semaphore_mem>>, %arg17: memref<!tpu.dma_semaphore, #tpu.memory_space<semaphore_mem>>) attributes {dimension_semantics = [#tpu.dimension_semantics<core_parallel>, #tpu.dimension_semantics<subcore_parallel>], iteration_bounds = array<i64: 2, 16>, scalar_prefetch = 0 : i64, scratch_operands = 11 : i64, tpu.core_type = #tpu.core_type<sc_vector_subcore>, window_params = [{transform_indices = #map}, {transform_indices = #map1}, {transform_indices = #map1}, {transform_indices = #map1}, {transform_indices = #map1}]} {
    %mul3A = arith.constant 16 : i32
    %mul3A_0 = arith.muli %arg0, %mul3A : i32
    %add3A = arith.addi %mul3A_0, %arg1 : i32
    %mul3A_1 = arith.constant 10240 : i32
    %mul3A_2 = arith.muli %add3A, %mul3A_1 : i32
    %mul3A_3 = arith.constant 632 : i32
    %mul3A_4 = arith.muli %arg1, %mul3A_3 : i32
    %mul3A_5 = arith.constant 632 : i32
    %mul3A_6 = arith.muli %arg1, %mul3A_5 : i32
    "tpu.region"() ({
      %run_scoped3A = tpu.sem_alloc : memref<!tpu.dma_semaphore, #tpu.memory_space<semaphore_mem>>
      %dma_start3A_75 = arith.constant 0 : i32
      %dma_start3A_76 = tpu.memref_slice %arg13[%mul3A_6, %dma_start3A_75] : memref<10112x40xf32, #tpu.memory_space<vmem_shared>> -> memref<632x40xf32, #tpu.memory_space<vmem_shared>>
      %dma_start3A_77 = arith.constant 0 : i32
      %dma_start3A_78 = tpu.memref_slice %arg5[%mul3A_4, %dma_start3A_77] : memref<10112x40xf32, #tpu.memory_space<hbm>> -> memref<632x40xf32, #tpu.memory_space<hbm>>
      tpu.enqueue_dma source(%dma_start3A_78 : memref<632x40xf32, #tpu.memory_space<hbm>>) target(%dma_start3A_76 : memref<632x40xf32, #tpu.memory_space<vmem_shared>>) target_semaphore(%run_scoped3A : memref<!tpu.dma_semaphore, #tpu.memory_space<semaphore_mem>>)
      %dma_wait3A_79 = arith.constant 0 : i32
      %dma_wait3A_80 = tpu.memref_slice %arg13[%mul3A_6, %dma_wait3A_79] : memref<10112x40xf32, #tpu.memory_space<vmem_shared>> -> memref<632x40xf32, #tpu.memory_space<vmem_shared>>
      %dma_wait3A_81 = arith.constant 0 : i32
      %dma_wait3A_82 = tpu.memref_slice %arg5[%mul3A_4, %dma_wait3A_81] : memref<10112x40xf32, #tpu.memory_space<hbm>> -> memref<632x40xf32, #tpu.memory_space<hbm>>
      tpu.wait_dma2 semaphore(%run_scoped3A : memref<!tpu.dma_semaphore, #tpu.memory_space<semaphore_mem>>) src(%dma_wait3A_82 : memref<632x40xf32, #tpu.memory_space<hbm>>) dst(%dma_wait3A_80 : memref<632x40xf32, #tpu.memory_space<vmem_shared>>)
      tpu.yield
    }) : () -> ()
    "tpu.region"() ({
      %run_scoped3A = tpu.sem_alloc : memref<!tpu.dma_semaphore, #tpu.memory_space<semaphore_mem>>
      %dma_start3A_75 = tpu.memref_slice %arg2[%mul3A_2] : memref<327680xi32, #tpu.memory_space<hbm>> -> memref<10240xi32, #tpu.memory_space<hbm>>
      %dma_start3A_76 = tpu.memref_slice %arg2[%mul3A_2] : memref<327680xi32, #tpu.memory_space<hbm>> -> memref<10240xi32, #tpu.memory_space<hbm>>
      tpu.enqueue_dma source(%dma_start3A_76 : memref<10240xi32, #tpu.memory_space<hbm>>) target(%arg7 : memref<10240xi32, #tpu.memory_space<vmem>>) target_semaphore(%run_scoped3A : memref<!tpu.dma_semaphore, #tpu.memory_space<semaphore_mem>>)
      %dma_wait3A_77 = tpu.memref_slice %arg2[%mul3A_2] : memref<327680xi32, #tpu.memory_space<hbm>> -> memref<10240xi32, #tpu.memory_space<hbm>>
      %dma_wait3A_78 = tpu.memref_slice %arg2[%mul3A_2] : memref<327680xi32, #tpu.memory_space<hbm>> -> memref<10240xi32, #tpu.memory_space<hbm>>
      tpu.wait_dma2 semaphore(%run_scoped3A : memref<!tpu.dma_semaphore, #tpu.memory_space<semaphore_mem>>) src(%dma_wait3A_78 : memref<10240xi32, #tpu.memory_space<hbm>>) dst(%arg7 : memref<10240xi32, #tpu.memory_space<vmem>>)
      tpu.yield
    }) : () -> ()
    %jit3A = arith.constant 128 : i32
    %div3A = arith.divsi %mul3A_2, %jit3A : i32
    %sign3A = arith.constant 0 : i32
    %sign3A_7 = arith.cmpi sgt, %mul3A_2, %sign3A : i32
    %sign3A_8 = arith.extui %sign3A_7 : i1 to i32
    %sign3A_9 = arith.constant 0 : i32
    %sign3A_10 = arith.cmpi slt, %mul3A_2, %sign3A_9 : i32
    %sign3A_11 = arith.extui %sign3A_10 : i1 to i32
    %sign3A_12 = arith.subi %sign3A_8, %sign3A_11 : i32
    %sign3A_13 = arith.constant 0 : i32
    %sign3A_14 = arith.cmpi sgt, %jit3A, %sign3A_13 : i32
    %sign3A_15 = arith.extui %sign3A_14 : i1 to i32
    %sign3A_16 = arith.constant 0 : i32
    %sign3A_17 = arith.cmpi slt, %jit3A, %sign3A_16 : i32
    %sign3A_18 = arith.extui %sign3A_17 : i1 to i32
    %sign3A_19 = arith.subi %sign3A_15, %sign3A_18 : i32
    %ne3A = arith.cmpi ne, %sign3A_12, %sign3A_19 : i32
    %rem3A = arith.remsi %mul3A_2, %jit3A : i32
    %ne3A_20 = arith.constant 0 : i32
    %ne3A_21 = arith.cmpi ne, %rem3A, %ne3A_20 : i32
    %and3A = arith.andi %ne3A, %ne3A_21 : i1
    %sub3A = arith.constant 1 : i32
    %sub3A_22 = arith.subi %div3A, %sub3A : i32
    %select_n3A = arith.select %and3A, %sub3A_22, %div3A : i32
    "tpu.region"() ({
      %run_scoped3A = tpu.sem_alloc : memref<!tpu.dma_semaphore, #tpu.memory_space<semaphore_mem>>
      %dma_start3A_75 = arith.constant 0 : i32
      %dma_start3A_76 = tpu.memref_slice %arg3[%select_n3A, %dma_start3A_75] : memref<2560x128xi32, #tpu.memory_space<hbm>> -> memref<80x128xi32, #tpu.memory_space<hbm>>
      %dma_start3A_77 = arith.constant 0 : i32
      %dma_start3A_78 = tpu.memref_slice %arg3[%select_n3A, %dma_start3A_77] : memref<2560x128xi32, #tpu.memory_space<hbm>> -> memref<80x128xi32, #tpu.memory_space<hbm>>
      tpu.enqueue_dma source(%dma_start3A_78 : memref<80x128xi32, #tpu.memory_space<hbm>>) target(%arg8 : memref<80x128xi32, #tpu.memory_space<vmem>>) target_semaphore(%run_scoped3A : memref<!tpu.dma_semaphore, #tpu.memory_space<semaphore_mem>>)
      %dma_wait3A_79 = arith.constant 0 : i32
      %dma_wait3A_80 = tpu.memref_slice %arg3[%select_n3A, %dma_wait3A_79] : memref<2560x128xi32, #tpu.memory_space<hbm>> -> memref<80x128xi32, #tpu.memory_space<hbm>>
      %dma_wait3A_81 = arith.constant 0 : i32
      %dma_wait3A_82 = tpu.memref_slice %arg3[%select_n3A, %dma_wait3A_81] : memref<2560x128xi32, #tpu.memory_space<hbm>> -> memref<80x128xi32, #tpu.memory_space<hbm>>
      tpu.wait_dma2 semaphore(%run_scoped3A : memref<!tpu.dma_semaphore, #tpu.memory_space<semaphore_mem>>) src(%dma_wait3A_82 : memref<80x128xi32, #tpu.memory_space<hbm>>) dst(%arg8 : memref<80x128xi32, #tpu.memory_space<vmem>>)
      tpu.yield
    }) : () -> ()
    %barrier3A = arith.constant 0 : index
    tpu.barrier barrier_id(%barrier3A)
    %min3A = arith.constant 0 : i32
    %min3A_23 = arith.constant 79 : i32
    %min3A_24 = arith.minsi %min3A, %min3A_23 : i32
    %mul3A_25 = arith.constant 128 : i32
    %mul3A_26 = arith.muli %min3A_24, %mul3A_25 : i32
    %dma_start3A = tpu.memref_slice %arg7[%mul3A_26] : memref<10240xi32, #tpu.memory_space<vmem>> -> memref<128xi32, #tpu.memory_space<vmem>>
    %dma_start3A_27 = arith.constant 0 : i32
    %dma_start3A_28 = arith.constant 0 : i32
    %dma_start3A_29 = tpu.memref_slice %arg4[%dma_start3A_27, %dma_start3A_28] : memref<10000x40xf32, #tpu.memory_space<hbm>> -> memref<10000x40xf32, #tpu.memory_space<hbm>>
    tpu.enqueue_indirect_dma source(%dma_start3A_29 : memref<10000x40xf32, #tpu.memory_space<hbm>>) target(%arg9 : memref<128x40xf32, #tpu.memory_space<vmem>>) offsets(%dma_start3A : memref<128xi32, #tpu.memory_space<vmem>>) semaphore(%arg14 : memref<!tpu.dma_semaphore, #tpu.memory_space<semaphore_mem>>)
    %min3A_30 = arith.constant 1 : i32
    %min3A_31 = arith.constant 79 : i32
    %min3A_32 = arith.minsi %min3A_30, %min3A_31 : i32
    %mul3A_33 = arith.constant 128 : i32
    %mul3A_34 = arith.muli %min3A_32, %mul3A_33 : i32
    %dma_start3A_35 = tpu.memref_slice %arg7[%mul3A_34] : memref<10240xi32, #tpu.memory_space<vmem>> -> memref<128xi32, #tpu.memory_space<vmem>>
    %dma_start3A_36 = arith.constant 0 : i32
    %dma_start3A_37 = arith.constant 0 : i32
    %dma_start3A_38 = tpu.memref_slice %arg4[%dma_start3A_36, %dma_start3A_37] : memref<10000x40xf32, #tpu.memory_space<hbm>> -> memref<10000x40xf32, #tpu.memory_space<hbm>>
    tpu.enqueue_indirect_dma source(%dma_start3A_38 : memref<10000x40xf32, #tpu.memory_space<hbm>>) target(%arg10 : memref<128x40xf32, #tpu.memory_space<vmem>>) offsets(%dma_start3A_35 : memref<128xi32, #tpu.memory_space<vmem>>) semaphore(%arg15 : memref<!tpu.dma_semaphore, #tpu.memory_space<semaphore_mem>>)
    %min3A_39 = arith.constant 2 : i32
    %min3A_40 = arith.constant 79 : i32
    %min3A_41 = arith.minsi %min3A_39, %min3A_40 : i32
    %mul3A_42 = arith.constant 128 : i32
    %mul3A_43 = arith.muli %min3A_41, %mul3A_42 : i32
    %dma_start3A_44 = tpu.memref_slice %arg7[%mul3A_43] : memref<10240xi32, #tpu.memory_space<vmem>> -> memref<128xi32, #tpu.memory_space<vmem>>
    %dma_start3A_45 = arith.constant 0 : i32
    %dma_start3A_46 = arith.constant 0 : i32
    %dma_start3A_47 = tpu.memref_slice %arg4[%dma_start3A_45, %dma_start3A_46] : memref<10000x40xf32, #tpu.memory_space<hbm>> -> memref<10000x40xf32, #tpu.memory_space<hbm>>
    tpu.enqueue_indirect_dma source(%dma_start3A_47 : memref<10000x40xf32, #tpu.memory_space<hbm>>) target(%arg11 : memref<128x40xf32, #tpu.memory_space<vmem>>) offsets(%dma_start3A_44 : memref<128xi32, #tpu.memory_space<vmem>>) semaphore(%arg16 : memref<!tpu.dma_semaphore, #tpu.memory_space<semaphore_mem>>)
    %scan3A = arith.constant 0 : i32
    %scan3A_48 = arith.constant 0 : i32
    %scan3A_49 = arith.constant 20 : i32
    %scan3A_50 = arith.addi %scan3A_48, %scan3A_49 : i32
    %scan3A_51 = arith.constant 1 : i32
    scf.for %scan3A_75 = %scan3A_48 to %scan3A_50 step %scan3A_51  : i32 {
      %mul3A_76 = arith.constant 4 : i32
      %mul3A_77 = arith.muli %mul3A_76, %scan3A_75 : i32
      %add3A_78 = arith.constant 0 : i32
      %add3A_79 = arith.addi %mul3A_77, %add3A_78 : i32
      %add3A_80 = arith.constant 4 : i32
      %add3A_81 = arith.addi %add3A_79, %add3A_80 : i32
      %sub3A_82 = arith.constant 1 : i32
      %sub3A_83 = arith.subi %add3A_81, %sub3A_82 : i32
      %min3A_84 = arith.constant 79 : i32
      %min3A_85 = arith.minsi %sub3A_83, %min3A_84 : i32
      %mul3A_86 = arith.constant 128 : i32
      %mul3A_87 = arith.muli %min3A_85, %mul3A_86 : i32
      %dma_start3A_88 = tpu.memref_slice %arg7[%mul3A_87] : memref<10240xi32, #tpu.memory_space<vmem>> -> memref<128xi32, #tpu.memory_space<vmem>>
      %dma_start3A_89 = arith.constant 0 : i32
      %dma_start3A_90 = arith.constant 0 : i32
      %dma_start3A_91 = tpu.memref_slice %arg4[%dma_start3A_89, %dma_start3A_90] : memref<10000x40xf32, #tpu.memory_space<hbm>> -> memref<10000x40xf32, #tpu.memory_space<hbm>>
      tpu.enqueue_indirect_dma source(%dma_start3A_91 : memref<10000x40xf32, #tpu.memory_space<hbm>>) target(%arg12 : memref<128x40xf32, #tpu.memory_space<vmem>>) offsets(%dma_start3A_88 : memref<128xi32, #tpu.memory_space<vmem>>) semaphore(%arg17 : memref<!tpu.dma_semaphore, #tpu.memory_space<semaphore_mem>>)
      %dma_wait3A_92 = arith.constant 0 : i32
      %dma_wait3A_93 = tpu.memref_slice %arg7[%dma_wait3A_92] : memref<10240xi32, #tpu.memory_space<vmem>> -> memref<128xi32, #tpu.memory_space<vmem>>
      %dma_wait3A_94 = arith.constant 0 : i32
      %dma_wait3A_95 = arith.constant 0 : i32
      %dma_wait3A_96 = tpu.memref_slice %arg4[%dma_wait3A_94, %dma_wait3A_95] : memref<10000x40xf32, #tpu.memory_space<hbm>> -> memref<10000x40xf32, #tpu.memory_space<hbm>>
      tpu.wait_indirect_dma semaphore(%arg14 : memref<!tpu.dma_semaphore, #tpu.memory_space<semaphore_mem>>) src(%dma_wait3A_96 : memref<10000x40xf32, #tpu.memory_space<hbm>>) dst(%arg9 : memref<128x40xf32, #tpu.memory_space<vmem>>)
      "tpu.region"() ({
        %run_scoped3A = tpu.sem_alloc : memref<!tpu.dma_semaphore, #tpu.memory_space<semaphore_mem>>
        %dma_start3A_160 = arith.constant 0 : i32
        %dma_start3A_161 = tpu.memref_slice %arg8[%add3A_79, %dma_start3A_160] : memref<80x128xi32, #tpu.memory_space<vmem>> -> memref<1x128xi32, #tpu.memory_space<vmem>>
        %dma_start3A_162 = tpu.memref_squeeze %dma_start3A_161 : memref<1x128xi32, #tpu.memory_space<vmem>> -> memref<128xi32, #tpu.memory_space<vmem>>
        %dma_start3A_163 = arith.constant 0 : i32
        %dma_start3A_164 = arith.constant 0 : i32
        %dma_start3A_165 = tpu.memref_slice %arg13[%dma_start3A_163, %dma_start3A_164] : memref<10112x40xf32, #tpu.memory_space<vmem_shared>> -> memref<10112x40xf32, #tpu.memory_space<vmem_shared>>
        tpu.enqueue_indirect_dma source(%arg9 : memref<128x40xf32, #tpu.memory_space<vmem>>) target(%dma_start3A_165 : memref<10112x40xf32, #tpu.memory_space<vmem_shared>>) offsets(%dma_start3A_162 : memref<128xi32, #tpu.memory_space<vmem>>) semaphore(%run_scoped3A : memref<!tpu.dma_semaphore, #tpu.memory_space<semaphore_mem>>) {add = true}
        %dma_wait3A_166 = arith.constant 0 : i32
        %dma_wait3A_167 = tpu.memref_slice %arg8[%add3A_79, %dma_wait3A_166] : memref<80x128xi32, #tpu.memory_space<vmem>> -> memref<1x128xi32, #tpu.memory_space<vmem>>
        %dma_wait3A_168 = tpu.memref_squeeze %dma_wait3A_167 : memref<1x128xi32, #tpu.memory_space<vmem>> -> memref<128xi32, #tpu.memory_space<vmem>>
        %dma_wait3A_169 = arith.constant 0 : i32
        %dma_wait3A_170 = arith.constant 0 : i32
        %dma_wait3A_171 = tpu.memref_slice %arg13[%dma_wait3A_169, %dma_wait3A_170] : memref<10112x40xf32, #tpu.memory_space<vmem_shared>> -> memref<10112x40xf32, #tpu.memory_space<vmem_shared>>
        tpu.wait_indirect_dma semaphore(%run_scoped3A : memref<!tpu.dma_semaphore, #tpu.memory_space<semaphore_mem>>) src(%arg9 : memref<128x40xf32, #tpu.memory_space<vmem>>) dst(%dma_wait3A_171 : memref<10112x40xf32, #tpu.memory_space<vmem_shared>>)
        tpu.yield
      }) : () -> ()
      %mul3A_97 = arith.constant 4 : i32
      %mul3A_98 = arith.muli %mul3A_97, %scan3A_75 : i32
      %add3A_99 = arith.constant 1 : i32
      %add3A_100 = arith.addi %mul3A_98, %add3A_99 : i32
      %add3A_101 = arith.constant 4 : i32
      %add3A_102 = arith.addi %add3A_100, %add3A_101 : i32
      %sub3A_103 = arith.constant 1 : i32
      %sub3A_104 = arith.subi %add3A_102, %sub3A_103 : i32
      %min3A_105 = arith.constant 79 : i32
      %min3A_106 = arith.minsi %sub3A_104, %min3A_105 : i32
      %mul3A_107 = arith.constant 128 : i32
      %mul3A_108 = arith.muli %min3A_106, %mul3A_107 : i32
      %dma_start3A_109 = tpu.memref_slice %arg7[%mul3A_108] : memref<10240xi32, #tpu.memory_space<vmem>> -> memref<128xi32, #tpu.memory_space<vmem>>
      %dma_start3A_110 = arith.constant 0 : i32
      %dma_start3A_111 = arith.constant 0 : i32
      %dma_start3A_112 = tpu.memref_slice %arg4[%dma_start3A_110, %dma_start3A_111] : memref<10000x40xf32, #tpu.memory_space<hbm>> -> memref<10000x40xf32, #tpu.memory_space<hbm>>
      tpu.enqueue_indirect_dma source(%dma_start3A_112 : memref<10000x40xf32, #tpu.memory_space<hbm>>) target(%arg9 : memref<128x40xf32, #tpu.memory_space<vmem>>) offsets(%dma_start3A_109 : memref<128xi32, #tpu.memory_space<vmem>>) semaphore(%arg14 : memref<!tpu.dma_semaphore, #tpu.memory_space<semaphore_mem>>)
      %dma_wait3A_113 = arith.constant 0 : i32
      %dma_wait3A_114 = tpu.memref_slice %arg7[%dma_wait3A_113] : memref<10240xi32, #tpu.memory_space<vmem>> -> memref<128xi32, #tpu.memory_space<vmem>>
      %dma_wait3A_115 = arith.constant 0 : i32
      %dma_wait3A_116 = arith.constant 0 : i32
      %dma_wait3A_117 = tpu.memref_slice %arg4[%dma_wait3A_115, %dma_wait3A_116] : memref<10000x40xf32, #tpu.memory_space<hbm>> -> memref<10000x40xf32, #tpu.memory_space<hbm>>
      tpu.wait_indirect_dma semaphore(%arg15 : memref<!tpu.dma_semaphore, #tpu.memory_space<semaphore_mem>>) src(%dma_wait3A_117 : memref<10000x40xf32, #tpu.memory_space<hbm>>) dst(%arg10 : memref<128x40xf32, #tpu.memory_space<vmem>>)
      "tpu.region"() ({
        %run_scoped3A = tpu.sem_alloc : memref<!tpu.dma_semaphore, #tpu.memory_space<semaphore_mem>>
        %dma_start3A_160 = arith.constant 0 : i32
        %dma_start3A_161 = tpu.memref_slice %arg8[%add3A_100, %dma_start3A_160] : memref<80x128xi32, #tpu.memory_space<vmem>> -> memref<1x128xi32, #tpu.memory_space<vmem>>
        %dma_start3A_162 = tpu.memref_squeeze %dma_start3A_161 : memref<1x128xi32, #tpu.memory_space<vmem>> -> memref<128xi32, #tpu.memory_space<vmem>>
        %dma_start3A_163 = arith.constant 0 : i32
        %dma_start3A_164 = arith.constant 0 : i32
        %dma_start3A_165 = tpu.memref_slice %arg13[%dma_start3A_163, %dma_start3A_164] : memref<10112x40xf32, #tpu.memory_space<vmem_shared>> -> memref<10112x40xf32, #tpu.memory_space<vmem_shared>>
        tpu.enqueue_indirect_dma source(%arg10 : memref<128x40xf32, #tpu.memory_space<vmem>>) target(%dma_start3A_165 : memref<10112x40xf32, #tpu.memory_space<vmem_shared>>) offsets(%dma_start3A_162 : memref<128xi32, #tpu.memory_space<vmem>>) semaphore(%run_scoped3A : memref<!tpu.dma_semaphore, #tpu.memory_space<semaphore_mem>>) {add = true}
        %dma_wait3A_166 = arith.constant 0 : i32
        %dma_wait3A_167 = tpu.memref_slice %arg8[%add3A_100, %dma_wait3A_166] : memref<80x128xi32, #tpu.memory_space<vmem>> -> memref<1x128xi32, #tpu.memory_space<vmem>>
        %dma_wait3A_168 = tpu.memref_squeeze %dma_wait3A_167 : memref<1x128xi32, #tpu.memory_space<vmem>> -> memref<128xi32, #tpu.memory_space<vmem>>
        %dma_wait3A_169 = arith.constant 0 : i32
        %dma_wait3A_170 = arith.constant 0 : i32
        %dma_wait3A_171 = tpu.memref_slice %arg13[%dma_wait3A_169, %dma_wait3A_170] : memref<10112x40xf32, #tpu.memory_space<vmem_shared>> -> memref<10112x40xf32, #tpu.memory_space<vmem_shared>>
        tpu.wait_indirect_dma semaphore(%run_scoped3A : memref<!tpu.dma_semaphore, #tpu.memory_space<semaphore_mem>>) src(%arg10 : memref<128x40xf32, #tpu.memory_space<vmem>>) dst(%dma_wait3A_171 : memref<10112x40xf32, #tpu.memory_space<vmem_shared>>)
        tpu.yield
      }) : () -> ()
      %mul3A_118 = arith.constant 4 : i32
      %mul3A_119 = arith.muli %mul3A_118, %scan3A_75 : i32
      %add3A_120 = arith.constant 2 : i32
      %add3A_121 = arith.addi %mul3A_119, %add3A_120 : i32
      %add3A_122 = arith.constant 4 : i32
      %add3A_123 = arith.addi %add3A_121, %add3A_122 : i32
      %sub3A_124 = arith.constant 1 : i32
      %sub3A_125 = arith.subi %add3A_123, %sub3A_124 : i32
      %min3A_126 = arith.constant 79 : i32
      %min3A_127 = arith.minsi %sub3A_125, %min3A_126 : i32
      %mul3A_128 = arith.constant 128 : i32
      %mul3A_129 = arith.muli %min3A_127, %mul3A_128 : i32
      %dma_start3A_130 = tpu.memref_slice %arg7[%mul3A_129] : memref<10240xi32, #tpu.memory_space<vmem>> -> memref<128xi32, #tpu.memory_space<vmem>>
      %dma_start3A_131 = arith.constant 0 : i32
      %dma_start3A_132 = arith.constant 0 : i32
      %dma_start3A_133 = tpu.memref_slice %arg4[%dma_start3A_131, %dma_start3A_132] : memref<10000x40xf32, #tpu.memory_space<hbm>> -> memref<10000x40xf32, #tpu.memory_space<hbm>>
      tpu.enqueue_indirect_dma source(%dma_start3A_133 : memref<10000x40xf32, #tpu.memory_space<hbm>>) target(%arg10 : memref<128x40xf32, #tpu.memory_space<vmem>>) offsets(%dma_start3A_130 : memref<128xi32, #tpu.memory_space<vmem>>) semaphore(%arg15 : memref<!tpu.dma_semaphore, #tpu.memory_space<semaphore_mem>>)
      %dma_wait3A_134 = arith.constant 0 : i32
      %dma_wait3A_135 = tpu.memref_slice %arg7[%dma_wait3A_134] : memref<10240xi32, #tpu.memory_space<vmem>> -> memref<128xi32, #tpu.memory_space<vmem>>
      %dma_wait3A_136 = arith.constant 0 : i32
      %dma_wait3A_137 = arith.constant 0 : i32
      %dma_wait3A_138 = tpu.memref_slice %arg4[%dma_wait3A_136, %dma_wait3A_137] : memref<10000x40xf32, #tpu.memory_space<hbm>> -> memref<10000x40xf32, #tpu.memory_space<hbm>>
      tpu.wait_indirect_dma semaphore(%arg16 : memref<!tpu.dma_semaphore, #tpu.memory_space<semaphore_mem>>) src(%dma_wait3A_138 : memref<10000x40xf32, #tpu.memory_space<hbm>>) dst(%arg11 : memref<128x40xf32, #tpu.memory_space<vmem>>)
      "tpu.region"() ({
        %run_scoped3A = tpu.sem_alloc : memref<!tpu.dma_semaphore, #tpu.memory_space<semaphore_mem>>
        %dma_start3A_160 = arith.constant 0 : i32
        %dma_start3A_161 = tpu.memref_slice %arg8[%add3A_121, %dma_start3A_160] : memref<80x128xi32, #tpu.memory_space<vmem>> -> memref<1x128xi32, #tpu.memory_space<vmem>>
        %dma_start3A_162 = tpu.memref_squeeze %dma_start3A_161 : memref<1x128xi32, #tpu.memory_space<vmem>> -> memref<128xi32, #tpu.memory_space<vmem>>
        %dma_start3A_163 = arith.constant 0 : i32
        %dma_start3A_164 = arith.constant 0 : i32
        %dma_start3A_165 = tpu.memref_slice %arg13[%dma_start3A_163, %dma_start3A_164] : memref<10112x40xf32, #tpu.memory_space<vmem_shared>> -> memref<10112x40xf32, #tpu.memory_space<vmem_shared>>
        tpu.enqueue_indirect_dma source(%arg11 : memref<128x40xf32, #tpu.memory_space<vmem>>) target(%dma_start3A_165 : memref<10112x40xf32, #tpu.memory_space<vmem_shared>>) offsets(%dma_start3A_162 : memref<128xi32, #tpu.memory_space<vmem>>) semaphore(%run_scoped3A : memref<!tpu.dma_semaphore, #tpu.memory_space<semaphore_mem>>) {add = true}
        %dma_wait3A_166 = arith.constant 0 : i32
        %dma_wait3A_167 = tpu.memref_slice %arg8[%add3A_121, %dma_wait3A_166] : memref<80x128xi32, #tpu.memory_space<vmem>> -> memref<1x128xi32, #tpu.memory_space<vmem>>
        %dma_wait3A_168 = tpu.memref_squeeze %dma_wait3A_167 : memref<1x128xi32, #tpu.memory_space<vmem>> -> memref<128xi32, #tpu.memory_space<vmem>>
        %dma_wait3A_169 = arith.constant 0 : i32
        %dma_wait3A_170 = arith.constant 0 : i32
        %dma_wait3A_171 = tpu.memref_slice %arg13[%dma_wait3A_169, %dma_wait3A_170] : memref<10112x40xf32, #tpu.memory_space<vmem_shared>> -> memref<10112x40xf32, #tpu.memory_space<vmem_shared>>
        tpu.wait_indirect_dma semaphore(%run_scoped3A : memref<!tpu.dma_semaphore, #tpu.memory_space<semaphore_mem>>) src(%arg11 : memref<128x40xf32, #tpu.memory_space<vmem>>) dst(%dma_wait3A_171 : memref<10112x40xf32, #tpu.memory_space<vmem_shared>>)
        tpu.yield
      }) : () -> ()
      %mul3A_139 = arith.constant 4 : i32
      %mul3A_140 = arith.muli %mul3A_139, %scan3A_75 : i32
      %add3A_141 = arith.constant 3 : i32
      %add3A_142 = arith.addi %mul3A_140, %add3A_141 : i32
      %add3A_143 = arith.constant 4 : i32
      %add3A_144 = arith.addi %add3A_142, %add3A_143 : i32
      %sub3A_145 = arith.constant 1 : i32
      %sub3A_146 = arith.subi %add3A_144, %sub3A_145 : i32
      %min3A_147 = arith.constant 79 : i32
      %min3A_148 = arith.minsi %sub3A_146, %min3A_147 : i32
      %mul3A_149 = arith.constant 128 : i32
      %mul3A_150 = arith.muli %min3A_148, %mul3A_149 : i32
      %dma_start3A_151 = tpu.memref_slice %arg7[%mul3A_150] : memref<10240xi32, #tpu.memory_space<vmem>> -> memref<128xi32, #tpu.memory_space<vmem>>
      %dma_start3A_152 = arith.constant 0 : i32
      %dma_start3A_153 = arith.constant 0 : i32
      %dma_start3A_154 = tpu.memref_slice %arg4[%dma_start3A_152, %dma_start3A_153] : memref<10000x40xf32, #tpu.memory_space<hbm>> -> memref<10000x40xf32, #tpu.memory_space<hbm>>
      tpu.enqueue_indirect_dma source(%dma_start3A_154 : memref<10000x40xf32, #tpu.memory_space<hbm>>) target(%arg11 : memref<128x40xf32, #tpu.memory_space<vmem>>) offsets(%dma_start3A_151 : memref<128xi32, #tpu.memory_space<vmem>>) semaphore(%arg16 : memref<!tpu.dma_semaphore, #tpu.memory_space<semaphore_mem>>)
      %dma_wait3A_155 = arith.constant 0 : i32
      %dma_wait3A_156 = tpu.memref_slice %arg7[%dma_wait3A_155] : memref<10240xi32, #tpu.memory_space<vmem>> -> memref<128xi32, #tpu.memory_space<vmem>>
      %dma_wait3A_157 = arith.constant 0 : i32
      %dma_wait3A_158 = arith.constant 0 : i32
      %dma_wait3A_159 = tpu.memref_slice %arg4[%dma_wait3A_157, %dma_wait3A_158] : memref<10000x40xf32, #tpu.memory_space<hbm>> -> memref<10000x40xf32, #tpu.memory_space<hbm>>
      tpu.wait_indirect_dma semaphore(%arg17 : memref<!tpu.dma_semaphore, #tpu.memory_space<semaphore_mem>>) src(%dma_wait3A_159 : memref<10000x40xf32, #tpu.memory_space<hbm>>) dst(%arg12 : memref<128x40xf32, #tpu.memory_space<vmem>>)
      "tpu.region"() ({
        %run_scoped3A = tpu.sem_alloc : memref<!tpu.dma_semaphore, #tpu.memory_space<semaphore_mem>>
        %dma_start3A_160 = arith.constant 0 : i32
        %dma_start3A_161 = tpu.memref_slice %arg8[%add3A_142, %dma_start3A_160] : memref<80x128xi32, #tpu.memory_space<vmem>> -> memref<1x128xi32, #tpu.memory_space<vmem>>
        %dma_start3A_162 = tpu.memref_squeeze %dma_start3A_161 : memref<1x128xi32, #tpu.memory_space<vmem>> -> memref<128xi32, #tpu.memory_space<vmem>>
        %dma_start3A_163 = arith.constant 0 : i32
        %dma_start3A_164 = arith.constant 0 : i32
        %dma_start3A_165 = tpu.memref_slice %arg13[%dma_start3A_163, %dma_start3A_164] : memref<10112x40xf32, #tpu.memory_space<vmem_shared>> -> memref<10112x40xf32, #tpu.memory_space<vmem_shared>>
        tpu.enqueue_indirect_dma source(%arg12 : memref<128x40xf32, #tpu.memory_space<vmem>>) target(%dma_start3A_165 : memref<10112x40xf32, #tpu.memory_space<vmem_shared>>) offsets(%dma_start3A_162 : memref<128xi32, #tpu.memory_space<vmem>>) semaphore(%run_scoped3A : memref<!tpu.dma_semaphore, #tpu.memory_space<semaphore_mem>>) {add = true}
        %dma_wait3A_166 = arith.constant 0 : i32
        %dma_wait3A_167 = tpu.memref_slice %arg8[%add3A_142, %dma_wait3A_166] : memref<80x128xi32, #tpu.memory_space<vmem>> -> memref<1x128xi32, #tpu.memory_space<vmem>>
        %dma_wait3A_168 = tpu.memref_squeeze %dma_wait3A_167 : memref<1x128xi32, #tpu.memory_space<vmem>> -> memref<128xi32, #tpu.memory_space<vmem>>
        %dma_wait3A_169 = arith.constant 0 : i32
        %dma_wait3A_170 = arith.constant 0 : i32
        %dma_wait3A_171 = tpu.memref_slice %arg13[%dma_wait3A_169, %dma_wait3A_170] : memref<10112x40xf32, #tpu.memory_space<vmem_shared>> -> memref<10112x40xf32, #tpu.memory_space<vmem_shared>>
        tpu.wait_indirect_dma semaphore(%run_scoped3A : memref<!tpu.dma_semaphore, #tpu.memory_space<semaphore_mem>>) src(%arg12 : memref<128x40xf32, #tpu.memory_space<vmem>>) dst(%dma_wait3A_171 : memref<10112x40xf32, #tpu.memory_space<vmem_shared>>)
        tpu.yield
      }) : () -> ()
    }
    %scan3A_52 = arith.constant 20 : i32
    %dma_wait3A = arith.constant 0 : i32
    %dma_wait3A_53 = tpu.memref_slice %arg7[%dma_wait3A] : memref<10240xi32, #tpu.memory_space<vmem>> -> memref<128xi32, #tpu.memory_space<vmem>>
    %dma_wait3A_54 = arith.constant 0 : i32
    %dma_wait3A_55 = arith.constant 0 : i32
    %dma_wait3A_56 = tpu.memref_slice %arg4[%dma_wait3A_54, %dma_wait3A_55] : memref<10000x40xf32, #tpu.memory_space<hbm>> -> memref<10000x40xf32, #tpu.memory_space<hbm>>
    tpu.wait_indirect_dma semaphore(%arg14 : memref<!tpu.dma_semaphore, #tpu.memory_space<semaphore_mem>>) src(%dma_wait3A_56 : memref<10000x40xf32, #tpu.memory_space<hbm>>) dst(%arg9 : memref<128x40xf32, #tpu.memory_space<vmem>>)
    %dma_wait3A_57 = arith.constant 0 : i32
    %dma_wait3A_58 = tpu.memref_slice %arg7[%dma_wait3A_57] : memref<10240xi32, #tpu.memory_space<vmem>> -> memref<128xi32, #tpu.memory_space<vmem>>
    %dma_wait3A_59 = arith.constant 0 : i32
    %dma_wait3A_60 = arith.constant 0 : i32
    %dma_wait3A_61 = tpu.memref_slice %arg4[%dma_wait3A_59, %dma_wait3A_60] : memref<10000x40xf32, #tpu.memory_space<hbm>> -> memref<10000x40xf32, #tpu.memory_space<hbm>>
    tpu.wait_indirect_dma semaphore(%arg15 : memref<!tpu.dma_semaphore, #tpu.memory_space<semaphore_mem>>) src(%dma_wait3A_61 : memref<10000x40xf32, #tpu.memory_space<hbm>>) dst(%arg10 : memref<128x40xf32, #tpu.memory_space<vmem>>)
    %dma_wait3A_62 = arith.constant 0 : i32
    %dma_wait3A_63 = tpu.memref_slice %arg7[%dma_wait3A_62] : memref<10240xi32, #tpu.memory_space<vmem>> -> memref<128xi32, #tpu.memory_space<vmem>>
    %dma_wait3A_64 = arith.constant 0 : i32
    %dma_wait3A_65 = arith.constant 0 : i32
    %dma_wait3A_66 = tpu.memref_slice %arg4[%dma_wait3A_64, %dma_wait3A_65] : memref<10000x40xf32, #tpu.memory_space<hbm>> -> memref<10000x40xf32, #tpu.memory_space<hbm>>
    tpu.wait_indirect_dma semaphore(%arg16 : memref<!tpu.dma_semaphore, #tpu.memory_space<semaphore_mem>>) src(%dma_wait3A_66 : memref<10000x40xf32, #tpu.memory_space<hbm>>) dst(%arg11 : memref<128x40xf32, #tpu.memory_space<vmem>>)
    %barrier3A_67 = arith.constant 0 : index
    tpu.barrier barrier_id(%barrier3A_67)
    %mul3A_68 = arith.constant 632 : i32
    %mul3A_69 = arith.muli %arg1, %mul3A_68 : i32
    %mul3A_70 = arith.constant 10112 : i32
    %mul3A_71 = arith.muli %arg0, %mul3A_70 : i32
    %mul3A_72 = arith.constant 632 : i32
    %mul3A_73 = arith.muli %arg1, %mul3A_72 : i32
    %add3A_74 = arith.addi %mul3A_71, %mul3A_73 : i32
    "tpu.region"() ({
      %run_scoped3A = tpu.sem_alloc : memref<!tpu.dma_semaphore, #tpu.memory_space<semaphore_mem>>
      %dma_start3A_75 = arith.constant 0 : i32
      %dma_start3A_76 = tpu.memref_slice %arg6[%add3A_74, %dma_start3A_75] : memref<20224x40xf32, #tpu.memory_space<hbm>> -> memref<632x40xf32, #tpu.memory_space<hbm>>
      %dma_start3A_77 = arith.constant 0 : i32
      %dma_start3A_78 = tpu.memref_slice %arg13[%mul3A_69, %dma_start3A_77] : memref<10112x40xf32, #tpu.memory_space<vmem_shared>> -> memref<632x40xf32, #tpu.memory_space<vmem_shared>>
      tpu.enqueue_dma source(%dma_start3A_78 : memref<632x40xf32, #tpu.memory_space<vmem_shared>>) target(%dma_start3A_76 : memref<632x40xf32, #tpu.memory_space<hbm>>) target_semaphore(%run_scoped3A : memref<!tpu.dma_semaphore, #tpu.memory_space<semaphore_mem>>)
      %dma_wait3A_79 = arith.constant 0 : i32
      %dma_wait3A_80 = tpu.memref_slice %arg6[%add3A_74, %dma_wait3A_79] : memref<20224x40xf32, #tpu.memory_space<hbm>> -> memref<632x40xf32, #tpu.memory_space<hbm>>
      %dma_wait3A_81 = arith.constant 0 : i32
      %dma_wait3A_82 = tpu.memref_slice %arg13[%mul3A_69, %dma_wait3A_81] : memref<10112x40xf32, #tpu.memory_space<vmem_shared>> -> memref<632x40xf32, #tpu.memory_space<vmem_shared>>
      tpu.wait_dma2 semaphore(%run_scoped3A : memref<!tpu.dma_semaphore, #tpu.memory_space<semaphore_mem>>) src(%dma_wait3A_82 : memref<632x40xf32, #tpu.memory_space<vmem_shared>>) dst(%dma_wait3A_80 : memref<632x40xf32, #tpu.memory_space<hbm>>)
      tpu.yield
    }) : () -> ()
    return
  }
}

#map = affine_map<(d0, d1) -> (0)>
#map1 = affine_map<(d0, d1) -> (0, 0)>
module attributes {stable_mosaic.version = 14 : i64} {
  func.func @agg_kernel(%arg0: i32, %arg1: i32, %arg2: memref<327680xi32, #tpu.memory_space<hbm>>, %arg3: memref<2560x128xi32, #tpu.memory_space<hbm>>, %arg4: memref<10000x32xf32, #tpu.memory_space<hbm>>, %arg5: memref<10112x32xf32, #tpu.memory_space<hbm>>, %arg6: memref<20224x32xf32, #tpu.memory_space<hbm>>, %arg7: memref<10240xi32, #tpu.memory_space<vmem>>, %arg8: memref<80x128xi32, #tpu.memory_space<vmem>>, %arg9: memref<128x32xf32, #tpu.memory_space<vmem>>, %arg10: memref<128x32xf32, #tpu.memory_space<vmem>>, %arg11: memref<128x32xf32, #tpu.memory_space<vmem>>, %arg12: memref<128x32xf32, #tpu.memory_space<vmem>>, %arg13: memref<10112x32xf32, #tpu.memory_space<vmem_shared>>, %arg14: memref<!tpu.dma_semaphore, #tpu.memory_space<semaphore_mem>>, %arg15: memref<!tpu.dma_semaphore, #tpu.memory_space<semaphore_mem>>, %arg16: memref<!tpu.dma_semaphore, #tpu.memory_space<semaphore_mem>>, %arg17: memref<!tpu.dma_semaphore, #tpu.memory_space<semaphore_mem>>) attributes {dimension_semantics = [#tpu.dimension_semantics<core_parallel>, #tpu.dimension_semantics<subcore_parallel>], iteration_bounds = array<i64: 2, 16>, scalar_prefetch = 0 : i64, scratch_operands = 11 : i64, tpu.core_type = #tpu.core_type<sc_vector_subcore>, window_params = [{transform_indices = #map}, {transform_indices = #map1}, {transform_indices = #map1}, {transform_indices = #map1}, {transform_indices = #map1}]} {
    %mul3A = arith.constant 16 : i32
    %mul3A_0 = arith.muli %arg0, %mul3A : i32
    %add3A = arith.addi %mul3A_0, %arg1 : i32
    %mul3A_1 = arith.constant 10240 : i32
    %mul3A_2 = arith.muli %add3A, %mul3A_1 : i32
    %mul3A_3 = arith.constant 632 : i32
    %mul3A_4 = arith.muli %arg1, %mul3A_3 : i32
    %mul3A_5 = arith.constant 632 : i32
    %mul3A_6 = arith.muli %arg1, %mul3A_5 : i32
    "tpu.region"() ({
      %run_scoped3A = tpu.sem_alloc : memref<!tpu.dma_semaphore, #tpu.memory_space<semaphore_mem>>
      %dma_start3A_75 = arith.constant 0 : i32
      %dma_start3A_76 = tpu.memref_slice %arg13[%mul3A_6, %dma_start3A_75] : memref<10112x32xf32, #tpu.memory_space<vmem_shared>> -> memref<632x32xf32, #tpu.memory_space<vmem_shared>>
      %dma_start3A_77 = arith.constant 0 : i32
      %dma_start3A_78 = tpu.memref_slice %arg5[%mul3A_4, %dma_start3A_77] : memref<10112x32xf32, #tpu.memory_space<hbm>> -> memref<632x32xf32, #tpu.memory_space<hbm>>
      tpu.enqueue_dma source(%dma_start3A_78 : memref<632x32xf32, #tpu.memory_space<hbm>>) target(%dma_start3A_76 : memref<632x32xf32, #tpu.memory_space<vmem_shared>>) target_semaphore(%run_scoped3A : memref<!tpu.dma_semaphore, #tpu.memory_space<semaphore_mem>>)
      %dma_wait3A_79 = arith.constant 0 : i32
      %dma_wait3A_80 = tpu.memref_slice %arg13[%mul3A_6, %dma_wait3A_79] : memref<10112x32xf32, #tpu.memory_space<vmem_shared>> -> memref<632x32xf32, #tpu.memory_space<vmem_shared>>
      %dma_wait3A_81 = arith.constant 0 : i32
      %dma_wait3A_82 = tpu.memref_slice %arg5[%mul3A_4, %dma_wait3A_81] : memref<10112x32xf32, #tpu.memory_space<hbm>> -> memref<632x32xf32, #tpu.memory_space<hbm>>
      tpu.wait_dma2 semaphore(%run_scoped3A : memref<!tpu.dma_semaphore, #tpu.memory_space<semaphore_mem>>) src(%dma_wait3A_82 : memref<632x32xf32, #tpu.memory_space<hbm>>) dst(%dma_wait3A_80 : memref<632x32xf32, #tpu.memory_space<vmem_shared>>)
      tpu.yield
    }) : () -> ()
    "tpu.region"() ({
      %run_scoped3A = tpu.sem_alloc : memref<!tpu.dma_semaphore, #tpu.memory_space<semaphore_mem>>
      %dma_start3A_75 = tpu.memref_slice %arg2[%mul3A_2] : memref<327680xi32, #tpu.memory_space<hbm>> -> memref<10240xi32, #tpu.memory_space<hbm>>
      %dma_start3A_76 = tpu.memref_slice %arg2[%mul3A_2] : memref<327680xi32, #tpu.memory_space<hbm>> -> memref<10240xi32, #tpu.memory_space<hbm>>
      tpu.enqueue_dma source(%dma_start3A_76 : memref<10240xi32, #tpu.memory_space<hbm>>) target(%arg7 : memref<10240xi32, #tpu.memory_space<vmem>>) target_semaphore(%run_scoped3A : memref<!tpu.dma_semaphore, #tpu.memory_space<semaphore_mem>>)
      %dma_wait3A_77 = tpu.memref_slice %arg2[%mul3A_2] : memref<327680xi32, #tpu.memory_space<hbm>> -> memref<10240xi32, #tpu.memory_space<hbm>>
      %dma_wait3A_78 = tpu.memref_slice %arg2[%mul3A_2] : memref<327680xi32, #tpu.memory_space<hbm>> -> memref<10240xi32, #tpu.memory_space<hbm>>
      tpu.wait_dma2 semaphore(%run_scoped3A : memref<!tpu.dma_semaphore, #tpu.memory_space<semaphore_mem>>) src(%dma_wait3A_78 : memref<10240xi32, #tpu.memory_space<hbm>>) dst(%arg7 : memref<10240xi32, #tpu.memory_space<vmem>>)
      tpu.yield
    }) : () -> ()
    %jit3A = arith.constant 128 : i32
    %div3A = arith.divsi %mul3A_2, %jit3A : i32
    %sign3A = arith.constant 0 : i32
    %sign3A_7 = arith.cmpi sgt, %mul3A_2, %sign3A : i32
    %sign3A_8 = arith.extui %sign3A_7 : i1 to i32
    %sign3A_9 = arith.constant 0 : i32
    %sign3A_10 = arith.cmpi slt, %mul3A_2, %sign3A_9 : i32
    %sign3A_11 = arith.extui %sign3A_10 : i1 to i32
    %sign3A_12 = arith.subi %sign3A_8, %sign3A_11 : i32
    %sign3A_13 = arith.constant 0 : i32
    %sign3A_14 = arith.cmpi sgt, %jit3A, %sign3A_13 : i32
    %sign3A_15 = arith.extui %sign3A_14 : i1 to i32
    %sign3A_16 = arith.constant 0 : i32
    %sign3A_17 = arith.cmpi slt, %jit3A, %sign3A_16 : i32
    %sign3A_18 = arith.extui %sign3A_17 : i1 to i32
    %sign3A_19 = arith.subi %sign3A_15, %sign3A_18 : i32
    %ne3A = arith.cmpi ne, %sign3A_12, %sign3A_19 : i32
    %rem3A = arith.remsi %mul3A_2, %jit3A : i32
    %ne3A_20 = arith.constant 0 : i32
    %ne3A_21 = arith.cmpi ne, %rem3A, %ne3A_20 : i32
    %and3A = arith.andi %ne3A, %ne3A_21 : i1
    %sub3A = arith.constant 1 : i32
    %sub3A_22 = arith.subi %div3A, %sub3A : i32
    %select_n3A = arith.select %and3A, %sub3A_22, %div3A : i32
    "tpu.region"() ({
      %run_scoped3A = tpu.sem_alloc : memref<!tpu.dma_semaphore, #tpu.memory_space<semaphore_mem>>
      %dma_start3A_75 = arith.constant 0 : i32
      %dma_start3A_76 = tpu.memref_slice %arg3[%select_n3A, %dma_start3A_75] : memref<2560x128xi32, #tpu.memory_space<hbm>> -> memref<80x128xi32, #tpu.memory_space<hbm>>
      %dma_start3A_77 = arith.constant 0 : i32
      %dma_start3A_78 = tpu.memref_slice %arg3[%select_n3A, %dma_start3A_77] : memref<2560x128xi32, #tpu.memory_space<hbm>> -> memref<80x128xi32, #tpu.memory_space<hbm>>
      tpu.enqueue_dma source(%dma_start3A_78 : memref<80x128xi32, #tpu.memory_space<hbm>>) target(%arg8 : memref<80x128xi32, #tpu.memory_space<vmem>>) target_semaphore(%run_scoped3A : memref<!tpu.dma_semaphore, #tpu.memory_space<semaphore_mem>>)
      %dma_wait3A_79 = arith.constant 0 : i32
      %dma_wait3A_80 = tpu.memref_slice %arg3[%select_n3A, %dma_wait3A_79] : memref<2560x128xi32, #tpu.memory_space<hbm>> -> memref<80x128xi32, #tpu.memory_space<hbm>>
      %dma_wait3A_81 = arith.constant 0 : i32
      %dma_wait3A_82 = tpu.memref_slice %arg3[%select_n3A, %dma_wait3A_81] : memref<2560x128xi32, #tpu.memory_space<hbm>> -> memref<80x128xi32, #tpu.memory_space<hbm>>
      tpu.wait_dma2 semaphore(%run_scoped3A : memref<!tpu.dma_semaphore, #tpu.memory_space<semaphore_mem>>) src(%dma_wait3A_82 : memref<80x128xi32, #tpu.memory_space<hbm>>) dst(%arg8 : memref<80x128xi32, #tpu.memory_space<vmem>>)
      tpu.yield
    }) : () -> ()
    %barrier3A = arith.constant 0 : index
    tpu.barrier barrier_id(%barrier3A)
    %min3A = arith.constant 0 : i32
    %min3A_23 = arith.constant 79 : i32
    %min3A_24 = arith.minsi %min3A, %min3A_23 : i32
    %mul3A_25 = arith.constant 128 : i32
    %mul3A_26 = arith.muli %min3A_24, %mul3A_25 : i32
    %dma_start3A = tpu.memref_slice %arg7[%mul3A_26] : memref<10240xi32, #tpu.memory_space<vmem>> -> memref<128xi32, #tpu.memory_space<vmem>>
    %dma_start3A_27 = arith.constant 0 : i32
    %dma_start3A_28 = arith.constant 0 : i32
    %dma_start3A_29 = tpu.memref_slice %arg4[%dma_start3A_27, %dma_start3A_28] : memref<10000x32xf32, #tpu.memory_space<hbm>> -> memref<10000x32xf32, #tpu.memory_space<hbm>>
    tpu.enqueue_indirect_dma source(%dma_start3A_29 : memref<10000x32xf32, #tpu.memory_space<hbm>>) target(%arg9 : memref<128x32xf32, #tpu.memory_space<vmem>>) offsets(%dma_start3A : memref<128xi32, #tpu.memory_space<vmem>>) semaphore(%arg14 : memref<!tpu.dma_semaphore, #tpu.memory_space<semaphore_mem>>)
    %min3A_30 = arith.constant 1 : i32
    %min3A_31 = arith.constant 79 : i32
    %min3A_32 = arith.minsi %min3A_30, %min3A_31 : i32
    %mul3A_33 = arith.constant 128 : i32
    %mul3A_34 = arith.muli %min3A_32, %mul3A_33 : i32
    %dma_start3A_35 = tpu.memref_slice %arg7[%mul3A_34] : memref<10240xi32, #tpu.memory_space<vmem>> -> memref<128xi32, #tpu.memory_space<vmem>>
    %dma_start3A_36 = arith.constant 0 : i32
    %dma_start3A_37 = arith.constant 0 : i32
    %dma_start3A_38 = tpu.memref_slice %arg4[%dma_start3A_36, %dma_start3A_37] : memref<10000x32xf32, #tpu.memory_space<hbm>> -> memref<10000x32xf32, #tpu.memory_space<hbm>>
    tpu.enqueue_indirect_dma source(%dma_start3A_38 : memref<10000x32xf32, #tpu.memory_space<hbm>>) target(%arg10 : memref<128x32xf32, #tpu.memory_space<vmem>>) offsets(%dma_start3A_35 : memref<128xi32, #tpu.memory_space<vmem>>) semaphore(%arg15 : memref<!tpu.dma_semaphore, #tpu.memory_space<semaphore_mem>>)
    %min3A_39 = arith.constant 2 : i32
    %min3A_40 = arith.constant 79 : i32
    %min3A_41 = arith.minsi %min3A_39, %min3A_40 : i32
    %mul3A_42 = arith.constant 128 : i32
    %mul3A_43 = arith.muli %min3A_41, %mul3A_42 : i32
    %dma_start3A_44 = tpu.memref_slice %arg7[%mul3A_43] : memref<10240xi32, #tpu.memory_space<vmem>> -> memref<128xi32, #tpu.memory_space<vmem>>
    %dma_start3A_45 = arith.constant 0 : i32
    %dma_start3A_46 = arith.constant 0 : i32
    %dma_start3A_47 = tpu.memref_slice %arg4[%dma_start3A_45, %dma_start3A_46] : memref<10000x32xf32, #tpu.memory_space<hbm>> -> memref<10000x32xf32, #tpu.memory_space<hbm>>
    tpu.enqueue_indirect_dma source(%dma_start3A_47 : memref<10000x32xf32, #tpu.memory_space<hbm>>) target(%arg11 : memref<128x32xf32, #tpu.memory_space<vmem>>) offsets(%dma_start3A_44 : memref<128xi32, #tpu.memory_space<vmem>>) semaphore(%arg16 : memref<!tpu.dma_semaphore, #tpu.memory_space<semaphore_mem>>)
    %scan3A = arith.constant 0 : i32
    %scan3A_48 = arith.constant 0 : i32
    %scan3A_49 = arith.constant 20 : i32
    %scan3A_50 = arith.addi %scan3A_48, %scan3A_49 : i32
    %scan3A_51 = arith.constant 1 : i32
    scf.for %scan3A_75 = %scan3A_48 to %scan3A_50 step %scan3A_51  : i32 {
      %mul3A_76 = arith.constant 4 : i32
      %mul3A_77 = arith.muli %mul3A_76, %scan3A_75 : i32
      %add3A_78 = arith.constant 0 : i32
      %add3A_79 = arith.addi %mul3A_77, %add3A_78 : i32
      %add3A_80 = arith.constant 4 : i32
      %add3A_81 = arith.addi %add3A_79, %add3A_80 : i32
      %sub3A_82 = arith.constant 1 : i32
      %sub3A_83 = arith.subi %add3A_81, %sub3A_82 : i32
      %min3A_84 = arith.constant 79 : i32
      %min3A_85 = arith.minsi %sub3A_83, %min3A_84 : i32
      %mul3A_86 = arith.constant 128 : i32
      %mul3A_87 = arith.muli %min3A_85, %mul3A_86 : i32
      %dma_start3A_88 = tpu.memref_slice %arg7[%mul3A_87] : memref<10240xi32, #tpu.memory_space<vmem>> -> memref<128xi32, #tpu.memory_space<vmem>>
      %dma_start3A_89 = arith.constant 0 : i32
      %dma_start3A_90 = arith.constant 0 : i32
      %dma_start3A_91 = tpu.memref_slice %arg4[%dma_start3A_89, %dma_start3A_90] : memref<10000x32xf32, #tpu.memory_space<hbm>> -> memref<10000x32xf32, #tpu.memory_space<hbm>>
      tpu.enqueue_indirect_dma source(%dma_start3A_91 : memref<10000x32xf32, #tpu.memory_space<hbm>>) target(%arg12 : memref<128x32xf32, #tpu.memory_space<vmem>>) offsets(%dma_start3A_88 : memref<128xi32, #tpu.memory_space<vmem>>) semaphore(%arg17 : memref<!tpu.dma_semaphore, #tpu.memory_space<semaphore_mem>>)
      %dma_wait3A_92 = arith.constant 0 : i32
      %dma_wait3A_93 = tpu.memref_slice %arg7[%dma_wait3A_92] : memref<10240xi32, #tpu.memory_space<vmem>> -> memref<128xi32, #tpu.memory_space<vmem>>
      %dma_wait3A_94 = arith.constant 0 : i32
      %dma_wait3A_95 = arith.constant 0 : i32
      %dma_wait3A_96 = tpu.memref_slice %arg4[%dma_wait3A_94, %dma_wait3A_95] : memref<10000x32xf32, #tpu.memory_space<hbm>> -> memref<10000x32xf32, #tpu.memory_space<hbm>>
      tpu.wait_indirect_dma semaphore(%arg14 : memref<!tpu.dma_semaphore, #tpu.memory_space<semaphore_mem>>) src(%dma_wait3A_96 : memref<10000x32xf32, #tpu.memory_space<hbm>>) dst(%arg9 : memref<128x32xf32, #tpu.memory_space<vmem>>)
      "tpu.region"() ({
        %run_scoped3A = tpu.sem_alloc : memref<!tpu.dma_semaphore, #tpu.memory_space<semaphore_mem>>
        %dma_start3A_160 = arith.constant 0 : i32
        %dma_start3A_161 = tpu.memref_slice %arg8[%add3A_79, %dma_start3A_160] : memref<80x128xi32, #tpu.memory_space<vmem>> -> memref<1x128xi32, #tpu.memory_space<vmem>>
        %dma_start3A_162 = tpu.memref_squeeze %dma_start3A_161 : memref<1x128xi32, #tpu.memory_space<vmem>> -> memref<128xi32, #tpu.memory_space<vmem>>
        %dma_start3A_163 = arith.constant 0 : i32
        %dma_start3A_164 = arith.constant 0 : i32
        %dma_start3A_165 = tpu.memref_slice %arg13[%dma_start3A_163, %dma_start3A_164] : memref<10112x32xf32, #tpu.memory_space<vmem_shared>> -> memref<10112x32xf32, #tpu.memory_space<vmem_shared>>
        tpu.enqueue_indirect_dma source(%arg9 : memref<128x32xf32, #tpu.memory_space<vmem>>) target(%dma_start3A_165 : memref<10112x32xf32, #tpu.memory_space<vmem_shared>>) offsets(%dma_start3A_162 : memref<128xi32, #tpu.memory_space<vmem>>) semaphore(%run_scoped3A : memref<!tpu.dma_semaphore, #tpu.memory_space<semaphore_mem>>) {add = true}
        %dma_wait3A_166 = arith.constant 0 : i32
        %dma_wait3A_167 = tpu.memref_slice %arg8[%add3A_79, %dma_wait3A_166] : memref<80x128xi32, #tpu.memory_space<vmem>> -> memref<1x128xi32, #tpu.memory_space<vmem>>
        %dma_wait3A_168 = tpu.memref_squeeze %dma_wait3A_167 : memref<1x128xi32, #tpu.memory_space<vmem>> -> memref<128xi32, #tpu.memory_space<vmem>>
        %dma_wait3A_169 = arith.constant 0 : i32
        %dma_wait3A_170 = arith.constant 0 : i32
        %dma_wait3A_171 = tpu.memref_slice %arg13[%dma_wait3A_169, %dma_wait3A_170] : memref<10112x32xf32, #tpu.memory_space<vmem_shared>> -> memref<10112x32xf32, #tpu.memory_space<vmem_shared>>
        tpu.wait_indirect_dma semaphore(%run_scoped3A : memref<!tpu.dma_semaphore, #tpu.memory_space<semaphore_mem>>) src(%arg9 : memref<128x32xf32, #tpu.memory_space<vmem>>) dst(%dma_wait3A_171 : memref<10112x32xf32, #tpu.memory_space<vmem_shared>>)
        tpu.yield
      }) : () -> ()
      %mul3A_97 = arith.constant 4 : i32
      %mul3A_98 = arith.muli %mul3A_97, %scan3A_75 : i32
      %add3A_99 = arith.constant 1 : i32
      %add3A_100 = arith.addi %mul3A_98, %add3A_99 : i32
      %add3A_101 = arith.constant 4 : i32
      %add3A_102 = arith.addi %add3A_100, %add3A_101 : i32
      %sub3A_103 = arith.constant 1 : i32
      %sub3A_104 = arith.subi %add3A_102, %sub3A_103 : i32
      %min3A_105 = arith.constant 79 : i32
      %min3A_106 = arith.minsi %sub3A_104, %min3A_105 : i32
      %mul3A_107 = arith.constant 128 : i32
      %mul3A_108 = arith.muli %min3A_106, %mul3A_107 : i32
      %dma_start3A_109 = tpu.memref_slice %arg7[%mul3A_108] : memref<10240xi32, #tpu.memory_space<vmem>> -> memref<128xi32, #tpu.memory_space<vmem>>
      %dma_start3A_110 = arith.constant 0 : i32
      %dma_start3A_111 = arith.constant 0 : i32
      %dma_start3A_112 = tpu.memref_slice %arg4[%dma_start3A_110, %dma_start3A_111] : memref<10000x32xf32, #tpu.memory_space<hbm>> -> memref<10000x32xf32, #tpu.memory_space<hbm>>
      tpu.enqueue_indirect_dma source(%dma_start3A_112 : memref<10000x32xf32, #tpu.memory_space<hbm>>) target(%arg9 : memref<128x32xf32, #tpu.memory_space<vmem>>) offsets(%dma_start3A_109 : memref<128xi32, #tpu.memory_space<vmem>>) semaphore(%arg14 : memref<!tpu.dma_semaphore, #tpu.memory_space<semaphore_mem>>)
      %dma_wait3A_113 = arith.constant 0 : i32
      %dma_wait3A_114 = tpu.memref_slice %arg7[%dma_wait3A_113] : memref<10240xi32, #tpu.memory_space<vmem>> -> memref<128xi32, #tpu.memory_space<vmem>>
      %dma_wait3A_115 = arith.constant 0 : i32
      %dma_wait3A_116 = arith.constant 0 : i32
      %dma_wait3A_117 = tpu.memref_slice %arg4[%dma_wait3A_115, %dma_wait3A_116] : memref<10000x32xf32, #tpu.memory_space<hbm>> -> memref<10000x32xf32, #tpu.memory_space<hbm>>
      tpu.wait_indirect_dma semaphore(%arg15 : memref<!tpu.dma_semaphore, #tpu.memory_space<semaphore_mem>>) src(%dma_wait3A_117 : memref<10000x32xf32, #tpu.memory_space<hbm>>) dst(%arg10 : memref<128x32xf32, #tpu.memory_space<vmem>>)
      "tpu.region"() ({
        %run_scoped3A = tpu.sem_alloc : memref<!tpu.dma_semaphore, #tpu.memory_space<semaphore_mem>>
        %dma_start3A_160 = arith.constant 0 : i32
        %dma_start3A_161 = tpu.memref_slice %arg8[%add3A_100, %dma_start3A_160] : memref<80x128xi32, #tpu.memory_space<vmem>> -> memref<1x128xi32, #tpu.memory_space<vmem>>
        %dma_start3A_162 = tpu.memref_squeeze %dma_start3A_161 : memref<1x128xi32, #tpu.memory_space<vmem>> -> memref<128xi32, #tpu.memory_space<vmem>>
        %dma_start3A_163 = arith.constant 0 : i32
        %dma_start3A_164 = arith.constant 0 : i32
        %dma_start3A_165 = tpu.memref_slice %arg13[%dma_start3A_163, %dma_start3A_164] : memref<10112x32xf32, #tpu.memory_space<vmem_shared>> -> memref<10112x32xf32, #tpu.memory_space<vmem_shared>>
        tpu.enqueue_indirect_dma source(%arg10 : memref<128x32xf32, #tpu.memory_space<vmem>>) target(%dma_start3A_165 : memref<10112x32xf32, #tpu.memory_space<vmem_shared>>) offsets(%dma_start3A_162 : memref<128xi32, #tpu.memory_space<vmem>>) semaphore(%run_scoped3A : memref<!tpu.dma_semaphore, #tpu.memory_space<semaphore_mem>>) {add = true}
        %dma_wait3A_166 = arith.constant 0 : i32
        %dma_wait3A_167 = tpu.memref_slice %arg8[%add3A_100, %dma_wait3A_166] : memref<80x128xi32, #tpu.memory_space<vmem>> -> memref<1x128xi32, #tpu.memory_space<vmem>>
        %dma_wait3A_168 = tpu.memref_squeeze %dma_wait3A_167 : memref<1x128xi32, #tpu.memory_space<vmem>> -> memref<128xi32, #tpu.memory_space<vmem>>
        %dma_wait3A_169 = arith.constant 0 : i32
        %dma_wait3A_170 = arith.constant 0 : i32
        %dma_wait3A_171 = tpu.memref_slice %arg13[%dma_wait3A_169, %dma_wait3A_170] : memref<10112x32xf32, #tpu.memory_space<vmem_shared>> -> memref<10112x32xf32, #tpu.memory_space<vmem_shared>>
        tpu.wait_indirect_dma semaphore(%run_scoped3A : memref<!tpu.dma_semaphore, #tpu.memory_space<semaphore_mem>>) src(%arg10 : memref<128x32xf32, #tpu.memory_space<vmem>>) dst(%dma_wait3A_171 : memref<10112x32xf32, #tpu.memory_space<vmem_shared>>)
        tpu.yield
      }) : () -> ()
      %mul3A_118 = arith.constant 4 : i32
      %mul3A_119 = arith.muli %mul3A_118, %scan3A_75 : i32
      %add3A_120 = arith.constant 2 : i32
      %add3A_121 = arith.addi %mul3A_119, %add3A_120 : i32
      %add3A_122 = arith.constant 4 : i32
      %add3A_123 = arith.addi %add3A_121, %add3A_122 : i32
      %sub3A_124 = arith.constant 1 : i32
      %sub3A_125 = arith.subi %add3A_123, %sub3A_124 : i32
      %min3A_126 = arith.constant 79 : i32
      %min3A_127 = arith.minsi %sub3A_125, %min3A_126 : i32
      %mul3A_128 = arith.constant 128 : i32
      %mul3A_129 = arith.muli %min3A_127, %mul3A_128 : i32
      %dma_start3A_130 = tpu.memref_slice %arg7[%mul3A_129] : memref<10240xi32, #tpu.memory_space<vmem>> -> memref<128xi32, #tpu.memory_space<vmem>>
      %dma_start3A_131 = arith.constant 0 : i32
      %dma_start3A_132 = arith.constant 0 : i32
      %dma_start3A_133 = tpu.memref_slice %arg4[%dma_start3A_131, %dma_start3A_132] : memref<10000x32xf32, #tpu.memory_space<hbm>> -> memref<10000x32xf32, #tpu.memory_space<hbm>>
      tpu.enqueue_indirect_dma source(%dma_start3A_133 : memref<10000x32xf32, #tpu.memory_space<hbm>>) target(%arg10 : memref<128x32xf32, #tpu.memory_space<vmem>>) offsets(%dma_start3A_130 : memref<128xi32, #tpu.memory_space<vmem>>) semaphore(%arg15 : memref<!tpu.dma_semaphore, #tpu.memory_space<semaphore_mem>>)
      %dma_wait3A_134 = arith.constant 0 : i32
      %dma_wait3A_135 = tpu.memref_slice %arg7[%dma_wait3A_134] : memref<10240xi32, #tpu.memory_space<vmem>> -> memref<128xi32, #tpu.memory_space<vmem>>
      %dma_wait3A_136 = arith.constant 0 : i32
      %dma_wait3A_137 = arith.constant 0 : i32
      %dma_wait3A_138 = tpu.memref_slice %arg4[%dma_wait3A_136, %dma_wait3A_137] : memref<10000x32xf32, #tpu.memory_space<hbm>> -> memref<10000x32xf32, #tpu.memory_space<hbm>>
      tpu.wait_indirect_dma semaphore(%arg16 : memref<!tpu.dma_semaphore, #tpu.memory_space<semaphore_mem>>) src(%dma_wait3A_138 : memref<10000x32xf32, #tpu.memory_space<hbm>>) dst(%arg11 : memref<128x32xf32, #tpu.memory_space<vmem>>)
      "tpu.region"() ({
        %run_scoped3A = tpu.sem_alloc : memref<!tpu.dma_semaphore, #tpu.memory_space<semaphore_mem>>
        %dma_start3A_160 = arith.constant 0 : i32
        %dma_start3A_161 = tpu.memref_slice %arg8[%add3A_121, %dma_start3A_160] : memref<80x128xi32, #tpu.memory_space<vmem>> -> memref<1x128xi32, #tpu.memory_space<vmem>>
        %dma_start3A_162 = tpu.memref_squeeze %dma_start3A_161 : memref<1x128xi32, #tpu.memory_space<vmem>> -> memref<128xi32, #tpu.memory_space<vmem>>
        %dma_start3A_163 = arith.constant 0 : i32
        %dma_start3A_164 = arith.constant 0 : i32
        %dma_start3A_165 = tpu.memref_slice %arg13[%dma_start3A_163, %dma_start3A_164] : memref<10112x32xf32, #tpu.memory_space<vmem_shared>> -> memref<10112x32xf32, #tpu.memory_space<vmem_shared>>
        tpu.enqueue_indirect_dma source(%arg11 : memref<128x32xf32, #tpu.memory_space<vmem>>) target(%dma_start3A_165 : memref<10112x32xf32, #tpu.memory_space<vmem_shared>>) offsets(%dma_start3A_162 : memref<128xi32, #tpu.memory_space<vmem>>) semaphore(%run_scoped3A : memref<!tpu.dma_semaphore, #tpu.memory_space<semaphore_mem>>) {add = true}
        %dma_wait3A_166 = arith.constant 0 : i32
        %dma_wait3A_167 = tpu.memref_slice %arg8[%add3A_121, %dma_wait3A_166] : memref<80x128xi32, #tpu.memory_space<vmem>> -> memref<1x128xi32, #tpu.memory_space<vmem>>
        %dma_wait3A_168 = tpu.memref_squeeze %dma_wait3A_167 : memref<1x128xi32, #tpu.memory_space<vmem>> -> memref<128xi32, #tpu.memory_space<vmem>>
        %dma_wait3A_169 = arith.constant 0 : i32
        %dma_wait3A_170 = arith.constant 0 : i32
        %dma_wait3A_171 = tpu.memref_slice %arg13[%dma_wait3A_169, %dma_wait3A_170] : memref<10112x32xf32, #tpu.memory_space<vmem_shared>> -> memref<10112x32xf32, #tpu.memory_space<vmem_shared>>
        tpu.wait_indirect_dma semaphore(%run_scoped3A : memref<!tpu.dma_semaphore, #tpu.memory_space<semaphore_mem>>) src(%arg11 : memref<128x32xf32, #tpu.memory_space<vmem>>) dst(%dma_wait3A_171 : memref<10112x32xf32, #tpu.memory_space<vmem_shared>>)
        tpu.yield
      }) : () -> ()
      %mul3A_139 = arith.constant 4 : i32
      %mul3A_140 = arith.muli %mul3A_139, %scan3A_75 : i32
      %add3A_141 = arith.constant 3 : i32
      %add3A_142 = arith.addi %mul3A_140, %add3A_141 : i32
      %add3A_143 = arith.constant 4 : i32
      %add3A_144 = arith.addi %add3A_142, %add3A_143 : i32
      %sub3A_145 = arith.constant 1 : i32
      %sub3A_146 = arith.subi %add3A_144, %sub3A_145 : i32
      %min3A_147 = arith.constant 79 : i32
      %min3A_148 = arith.minsi %sub3A_146, %min3A_147 : i32
      %mul3A_149 = arith.constant 128 : i32
      %mul3A_150 = arith.muli %min3A_148, %mul3A_149 : i32
      %dma_start3A_151 = tpu.memref_slice %arg7[%mul3A_150] : memref<10240xi32, #tpu.memory_space<vmem>> -> memref<128xi32, #tpu.memory_space<vmem>>
      %dma_start3A_152 = arith.constant 0 : i32
      %dma_start3A_153 = arith.constant 0 : i32
      %dma_start3A_154 = tpu.memref_slice %arg4[%dma_start3A_152, %dma_start3A_153] : memref<10000x32xf32, #tpu.memory_space<hbm>> -> memref<10000x32xf32, #tpu.memory_space<hbm>>
      tpu.enqueue_indirect_dma source(%dma_start3A_154 : memref<10000x32xf32, #tpu.memory_space<hbm>>) target(%arg11 : memref<128x32xf32, #tpu.memory_space<vmem>>) offsets(%dma_start3A_151 : memref<128xi32, #tpu.memory_space<vmem>>) semaphore(%arg16 : memref<!tpu.dma_semaphore, #tpu.memory_space<semaphore_mem>>)
      %dma_wait3A_155 = arith.constant 0 : i32
      %dma_wait3A_156 = tpu.memref_slice %arg7[%dma_wait3A_155] : memref<10240xi32, #tpu.memory_space<vmem>> -> memref<128xi32, #tpu.memory_space<vmem>>
      %dma_wait3A_157 = arith.constant 0 : i32
      %dma_wait3A_158 = arith.constant 0 : i32
      %dma_wait3A_159 = tpu.memref_slice %arg4[%dma_wait3A_157, %dma_wait3A_158] : memref<10000x32xf32, #tpu.memory_space<hbm>> -> memref<10000x32xf32, #tpu.memory_space<hbm>>
      tpu.wait_indirect_dma semaphore(%arg17 : memref<!tpu.dma_semaphore, #tpu.memory_space<semaphore_mem>>) src(%dma_wait3A_159 : memref<10000x32xf32, #tpu.memory_space<hbm>>) dst(%arg12 : memref<128x32xf32, #tpu.memory_space<vmem>>)
      "tpu.region"() ({
        %run_scoped3A = tpu.sem_alloc : memref<!tpu.dma_semaphore, #tpu.memory_space<semaphore_mem>>
        %dma_start3A_160 = arith.constant 0 : i32
        %dma_start3A_161 = tpu.memref_slice %arg8[%add3A_142, %dma_start3A_160] : memref<80x128xi32, #tpu.memory_space<vmem>> -> memref<1x128xi32, #tpu.memory_space<vmem>>
        %dma_start3A_162 = tpu.memref_squeeze %dma_start3A_161 : memref<1x128xi32, #tpu.memory_space<vmem>> -> memref<128xi32, #tpu.memory_space<vmem>>
        %dma_start3A_163 = arith.constant 0 : i32
        %dma_start3A_164 = arith.constant 0 : i32
        %dma_start3A_165 = tpu.memref_slice %arg13[%dma_start3A_163, %dma_start3A_164] : memref<10112x32xf32, #tpu.memory_space<vmem_shared>> -> memref<10112x32xf32, #tpu.memory_space<vmem_shared>>
        tpu.enqueue_indirect_dma source(%arg12 : memref<128x32xf32, #tpu.memory_space<vmem>>) target(%dma_start3A_165 : memref<10112x32xf32, #tpu.memory_space<vmem_shared>>) offsets(%dma_start3A_162 : memref<128xi32, #tpu.memory_space<vmem>>) semaphore(%run_scoped3A : memref<!tpu.dma_semaphore, #tpu.memory_space<semaphore_mem>>) {add = true}
        %dma_wait3A_166 = arith.constant 0 : i32
        %dma_wait3A_167 = tpu.memref_slice %arg8[%add3A_142, %dma_wait3A_166] : memref<80x128xi32, #tpu.memory_space<vmem>> -> memref<1x128xi32, #tpu.memory_space<vmem>>
        %dma_wait3A_168 = tpu.memref_squeeze %dma_wait3A_167 : memref<1x128xi32, #tpu.memory_space<vmem>> -> memref<128xi32, #tpu.memory_space<vmem>>
        %dma_wait3A_169 = arith.constant 0 : i32
        %dma_wait3A_170 = arith.constant 0 : i32
        %dma_wait3A_171 = tpu.memref_slice %arg13[%dma_wait3A_169, %dma_wait3A_170] : memref<10112x32xf32, #tpu.memory_space<vmem_shared>> -> memref<10112x32xf32, #tpu.memory_space<vmem_shared>>
        tpu.wait_indirect_dma semaphore(%run_scoped3A : memref<!tpu.dma_semaphore, #tpu.memory_space<semaphore_mem>>) src(%arg12 : memref<128x32xf32, #tpu.memory_space<vmem>>) dst(%dma_wait3A_171 : memref<10112x32xf32, #tpu.memory_space<vmem_shared>>)
        tpu.yield
      }) : () -> ()
    }
    %scan3A_52 = arith.constant 20 : i32
    %dma_wait3A = arith.constant 0 : i32
    %dma_wait3A_53 = tpu.memref_slice %arg7[%dma_wait3A] : memref<10240xi32, #tpu.memory_space<vmem>> -> memref<128xi32, #tpu.memory_space<vmem>>
    %dma_wait3A_54 = arith.constant 0 : i32
    %dma_wait3A_55 = arith.constant 0 : i32
    %dma_wait3A_56 = tpu.memref_slice %arg4[%dma_wait3A_54, %dma_wait3A_55] : memref<10000x32xf32, #tpu.memory_space<hbm>> -> memref<10000x32xf32, #tpu.memory_space<hbm>>
    tpu.wait_indirect_dma semaphore(%arg14 : memref<!tpu.dma_semaphore, #tpu.memory_space<semaphore_mem>>) src(%dma_wait3A_56 : memref<10000x32xf32, #tpu.memory_space<hbm>>) dst(%arg9 : memref<128x32xf32, #tpu.memory_space<vmem>>)
    %dma_wait3A_57 = arith.constant 0 : i32
    %dma_wait3A_58 = tpu.memref_slice %arg7[%dma_wait3A_57] : memref<10240xi32, #tpu.memory_space<vmem>> -> memref<128xi32, #tpu.memory_space<vmem>>
    %dma_wait3A_59 = arith.constant 0 : i32
    %dma_wait3A_60 = arith.constant 0 : i32
    %dma_wait3A_61 = tpu.memref_slice %arg4[%dma_wait3A_59, %dma_wait3A_60] : memref<10000x32xf32, #tpu.memory_space<hbm>> -> memref<10000x32xf32, #tpu.memory_space<hbm>>
    tpu.wait_indirect_dma semaphore(%arg15 : memref<!tpu.dma_semaphore, #tpu.memory_space<semaphore_mem>>) src(%dma_wait3A_61 : memref<10000x32xf32, #tpu.memory_space<hbm>>) dst(%arg10 : memref<128x32xf32, #tpu.memory_space<vmem>>)
    %dma_wait3A_62 = arith.constant 0 : i32
    %dma_wait3A_63 = tpu.memref_slice %arg7[%dma_wait3A_62] : memref<10240xi32, #tpu.memory_space<vmem>> -> memref<128xi32, #tpu.memory_space<vmem>>
    %dma_wait3A_64 = arith.constant 0 : i32
    %dma_wait3A_65 = arith.constant 0 : i32
    %dma_wait3A_66 = tpu.memref_slice %arg4[%dma_wait3A_64, %dma_wait3A_65] : memref<10000x32xf32, #tpu.memory_space<hbm>> -> memref<10000x32xf32, #tpu.memory_space<hbm>>
    tpu.wait_indirect_dma semaphore(%arg16 : memref<!tpu.dma_semaphore, #tpu.memory_space<semaphore_mem>>) src(%dma_wait3A_66 : memref<10000x32xf32, #tpu.memory_space<hbm>>) dst(%arg11 : memref<128x32xf32, #tpu.memory_space<vmem>>)
    %barrier3A_67 = arith.constant 0 : index
    tpu.barrier barrier_id(%barrier3A_67)
    %mul3A_68 = arith.constant 632 : i32
    %mul3A_69 = arith.muli %arg1, %mul3A_68 : i32
    %mul3A_70 = arith.constant 10112 : i32
    %mul3A_71 = arith.muli %arg0, %mul3A_70 : i32
    %mul3A_72 = arith.constant 632 : i32
    %mul3A_73 = arith.muli %arg1, %mul3A_72 : i32
    %add3A_74 = arith.addi %mul3A_71, %mul3A_73 : i32
    "tpu.region"() ({
      %run_scoped3A = tpu.sem_alloc : memref<!tpu.dma_semaphore, #tpu.memory_space<semaphore_mem>>
      %dma_start3A_75 = arith.constant 0 : i32
      %dma_start3A_76 = tpu.memref_slice %arg6[%add3A_74, %dma_start3A_75] : memref<20224x32xf32, #tpu.memory_space<hbm>> -> memref<632x32xf32, #tpu.memory_space<hbm>>
      %dma_start3A_77 = arith.constant 0 : i32
      %dma_start3A_78 = tpu.memref_slice %arg13[%mul3A_69, %dma_start3A_77] : memref<10112x32xf32, #tpu.memory_space<vmem_shared>> -> memref<632x32xf32, #tpu.memory_space<vmem_shared>>
      tpu.enqueue_dma source(%dma_start3A_78 : memref<632x32xf32, #tpu.memory_space<vmem_shared>>) target(%dma_start3A_76 : memref<632x32xf32, #tpu.memory_space<hbm>>) target_semaphore(%run_scoped3A : memref<!tpu.dma_semaphore, #tpu.memory_space<semaphore_mem>>)
      %dma_wait3A_79 = arith.constant 0 : i32
      %dma_wait3A_80 = tpu.memref_slice %arg6[%add3A_74, %dma_wait3A_79] : memref<20224x32xf32, #tpu.memory_space<hbm>> -> memref<632x32xf32, #tpu.memory_space<hbm>>
      %dma_wait3A_81 = arith.constant 0 : i32
      %dma_wait3A_82 = tpu.memref_slice %arg13[%mul3A_69, %dma_wait3A_81] : memref<10112x32xf32, #tpu.memory_space<vmem_shared>> -> memref<632x32xf32, #tpu.memory_space<vmem_shared>>
      tpu.wait_dma2 semaphore(%run_scoped3A : memref<!tpu.dma_semaphore, #tpu.memory_space<semaphore_mem>>) src(%dma_wait3A_82 : memref<632x32xf32, #tpu.memory_space<vmem_shared>>) dst(%dma_wait3A_80 : memref<632x32xf32, #tpu.memory_space<hbm>>)
      tpu.yield
    }) : () -> ()
    return
  }
}

module attributes {stable_mosaic.version = 14 : i64} {
  func.func @_tc1_body(%arg0: i32, %arg1: memref<2000x128xf32, #tpu.memory_space<vmem>>, %arg2: memref<128x32xf32, #tpu.memory_space<vmem>>, %arg3: memref<2x2000x16xf32, #tpu.memory_space<vmem>>, %arg4: memref<2000x32xf32, #tpu.memory_space<vmem>>, %arg5: memref<2000x1xf32, #tpu.memory_space<vmem>>) attributes {dimension_semantics = [#tpu.dimension_semantics<arbitrary>], iteration_bounds = array<i64: 5>, scalar_prefetch = 0 : i64, scratch_operands = 0 : i64, tpu.core_type = #tpu.core_type<tc>, window_params = [{transform_indices = @transform_0, window_bounds = array<i64: 2000, 128>}, {pipeline_mode = #tpu.pipeline_mode<synchronous>, transform_indices = @transform_1, window_bounds = array<i64: 128, 32>}, {transform_indices = @transform_2, window_bounds = array<i64: 2, 2000, 16>}, {transform_indices = @transform_3, window_bounds = array<i64: 2000, 32>}, {transform_indices = @transform_4, window_bounds = array<i64: 2000, 1>}]} {
    %get3A = arith.constant 0 : index
    %get3A_0 = arith.constant 0 : index
    %get3A_1 = arith.constant 0 : index
    %get3A_2 = vector.load %arg3[%get3A, %get3A_0, %get3A_1] : memref<2x2000x16xf32, #tpu.memory_space<vmem>>, vector<1x2000x1xf32>
    %get3A_3 = vector.shape_cast %get3A_2 : vector<1x2000x1xf32> to vector<2000x1xf32>
    %get3A_4 = arith.constant 1 : index
    %get3A_5 = arith.constant 0 : index
    %get3A_6 = arith.constant 0 : index
    %get3A_7 = vector.load %arg3[%get3A_4, %get3A_5, %get3A_6] : memref<2x2000x16xf32, #tpu.memory_space<vmem>>, vector<1x2000x1xf32>
    %get3A_8 = vector.shape_cast %get3A_7 : vector<1x2000x1xf32> to vector<2000x1xf32>
    %add3A = arith.addf %get3A_3, %get3A_8 : vector<2000x1xf32>
    %add3A_9 = arith.constant 1.000000e+00 : f32
    %add3A_10 = vector.broadcast %add3A_9 : f32 to vector<2000x1xf32>
    %add3A_11 = arith.addf %add3A, %add3A_10 : vector<2000x1xf32>
    %rsqrt3A = math.rsqrt %add3A_11 : vector<2000x1xf32>
    %swap3A = arith.constant 0 : index
    %swap3A_12 = arith.constant 0 : index
    %swap3A_13 = vector.load %arg5[%swap3A, %swap3A_12] : memref<2000x1xf32, #tpu.memory_space<vmem>>, vector<2000x1xf32>
    tpu.vector_store %arg5[%swap3A, %swap3A_12], %rsqrt3A {strides = array<i32>} : memref<2000x1xf32, #tpu.memory_space<vmem>>, vector<2000x1xf32>,
    %get3A_14 = arith.constant 0 : index
    %get3A_15 = arith.constant 0 : index
    %get3A_16 = vector.load %arg1[%get3A_14, %get3A_15] : memref<2000x128xf32, #tpu.memory_space<vmem>>, vector<2000x128xf32>
    %get3A_17 = arith.constant 0 : index
    %get3A_18 = arith.constant 0 : index
    %get3A_19 = vector.load %arg2[%get3A_17, %get3A_18] : memref<128x32xf32, #tpu.memory_space<vmem>>, vector<128x32xf32>
    %dot_general3A = arith.constant dense<0.000000e+00> : vector<2000x32xf32>
    %dot_general3A_20 = tpu.matmul %get3A_16, %get3A_19, %dot_general3A {dimension_numbers = #tpu.dot_dimension_numbers<[1], [0], [0], [1], [0, 0, 1, 1], [], []>, transpose_lhs_hint = false} : vector<2000x128xf32>, vector<128x32xf32>, vector<2000x32xf32> -> vector<2000x32xf32>
    %mul3A = vector.broadcast %rsqrt3A : vector<2000x1xf32> to vector<2000x32xf32>
    %mul3A_21 = arith.mulf %mul3A, %dot_general3A_20 : vector<2000x32xf32>
    %swap3A_22 = arith.constant 0 : index
    %swap3A_23 = arith.constant 0 : index
    %swap3A_24 = vector.load %arg4[%swap3A_22, %swap3A_23] : memref<2000x32xf32, #tpu.memory_space<vmem>>, vector<2000x32xf32>
    tpu.vector_store %arg4[%swap3A_22, %swap3A_23], %mul3A_21 {strides = array<i32>} : memref<2000x32xf32, #tpu.memory_space<vmem>>, vector<2000x32xf32>,
    return
  }
  func.func @transform_0(%arg0: i32) -> (i32, i32) {
    %c0_i32 = arith.constant 0 : i32
    %c0_i32_0 = arith.constant 0 : i32
    return %arg0, %c0_i32 : i32, i32
  }
  func.func @transform_1(%arg0: i32) -> (i32, i32) {
    %c0_i32 = arith.constant 0 : i32
    %c0_i32_0 = arith.constant 0 : i32
    %c0_i32_1 = arith.constant 0 : i32
    return %c0_i32, %c0_i32_0 : i32, i32
  }
  func.func @transform_2(%arg0: i32) -> (i32, i32, i32) {
    %c0_i32 = arith.constant 0 : i32
    %c0_i32_0 = arith.constant 0 : i32
    %c0_i32_1 = arith.constant 0 : i32
    return %c0_i32, %arg0, %c0_i32_0 : i32, i32, i32
  }
  func.func @transform_3(%arg0: i32) -> (i32, i32) {
    %c0_i32 = arith.constant 0 : i32
    %c0_i32_0 = arith.constant 0 : i32
    return %arg0, %c0_i32 : i32, i32
  }
  func.func @transform_4(%arg0: i32) -> (i32, i32) {
    %c0_i32 = arith.constant 0 : i32
    %c0_i32_0 = arith.constant 0 : i32
    return %arg0, %c0_i32 : i32, i32
  }
}

module attributes {stable_mosaic.version = 14 : i64} {
  func.func @_tc2_body(%arg0: i32, %arg1: memref<2x2000x32xf32, #tpu.memory_space<vmem>>, %arg2: memref<2000x32xf32, #tpu.memory_space<vmem>>, %arg3: memref<2000x1xf32, #tpu.memory_space<vmem>>, %arg4: memref<1x32xf32, #tpu.memory_space<vmem>>, %arg5: memref<32x40xf32, #tpu.memory_space<vmem>>, %arg6: memref<2000x40xf32, #tpu.memory_space<vmem>>) attributes {dimension_semantics = [#tpu.dimension_semantics<arbitrary>], iteration_bounds = array<i64: 5>, scalar_prefetch = 0 : i64, scratch_operands = 0 : i64, tpu.core_type = #tpu.core_type<tc>, window_params = [{transform_indices = @transform_0, window_bounds = array<i64: 2, 2000, 32>}, {transform_indices = @transform_1, window_bounds = array<i64: 2000, 32>}, {transform_indices = @transform_2, window_bounds = array<i64: 2000, 1>}, {pipeline_mode = #tpu.pipeline_mode<synchronous>, transform_indices = @transform_3, window_bounds = array<i64: 1, 32>}, {pipeline_mode = #tpu.pipeline_mode<synchronous>, transform_indices = @transform_4, window_bounds = array<i64: 32, 40>}, {transform_indices = @transform_5, window_bounds = array<i64: 2000, 40>}]} {
    %get3A = arith.constant 0 : index
    %get3A_0 = arith.constant 0 : index
    %get3A_1 = vector.load %arg3[%get3A, %get3A_0] : memref<2000x1xf32, #tpu.memory_space<vmem>>, vector<2000x1xf32>
    %get3A_2 = arith.constant 0 : index
    %get3A_3 = arith.constant 0 : index
    %get3A_4 = arith.constant 0 : index
    %get3A_5 = vector.load %arg1[%get3A_2, %get3A_3, %get3A_4] : memref<2x2000x32xf32, #tpu.memory_space<vmem>>, vector<1x2000x32xf32>
    %get3A_6 = vector.shape_cast %get3A_5 : vector<1x2000x32xf32> to vector<2000x32xf32>
    %get3A_7 = arith.constant 1 : index
    %get3A_8 = arith.constant 0 : index
    %get3A_9 = arith.constant 0 : index
    %get3A_10 = vector.load %arg1[%get3A_7, %get3A_8, %get3A_9] : memref<2x2000x32xf32, #tpu.memory_space<vmem>>, vector<1x2000x32xf32>
    %get3A_11 = vector.shape_cast %get3A_10 : vector<1x2000x32xf32> to vector<2000x32xf32>
    %add3A = arith.addf %get3A_6, %get3A_11 : vector<2000x32xf32>
    %get3A_12 = arith.constant 0 : index
    %get3A_13 = arith.constant 0 : index
    %get3A_14 = vector.load %arg2[%get3A_12, %get3A_13] : memref<2000x32xf32, #tpu.memory_space<vmem>>, vector<2000x32xf32>
    %add3A_15 = arith.addf %add3A, %get3A_14 : vector<2000x32xf32>
    %mul3A = vector.broadcast %get3A_1 : vector<2000x1xf32> to vector<2000x32xf32>
    %mul3A_16 = arith.mulf %mul3A, %add3A_15 : vector<2000x32xf32>
    %get3A_17 = arith.constant 0 : index
    %get3A_18 = arith.constant 0 : index
    %get3A_19 = vector.load %arg4[%get3A_17, %get3A_18] : memref<1x32xf32, #tpu.memory_space<vmem>>, vector<1x32xf32>
    %add3A_20 = vector.broadcast %get3A_19 : vector<1x32xf32> to vector<2000x32xf32>
    %add3A_21 = arith.addf %mul3A_16, %add3A_20 : vector<2000x32xf32>
    %max3A = arith.constant 0.000000e+00 : f32
    %max3A_22 = vector.broadcast %max3A : f32 to vector<2000x32xf32>
    %max3A_23 = arith.maximumf %add3A_21, %max3A_22 : vector<2000x32xf32>
    %get3A_24 = arith.constant 0 : index
    %get3A_25 = arith.constant 0 : index
    %get3A_26 = vector.load %arg5[%get3A_24, %get3A_25] : memref<32x40xf32, #tpu.memory_space<vmem>>, vector<32x40xf32>
    %dot_general3A = arith.constant dense<0.000000e+00> : vector<2000x40xf32>
    %dot_general3A_27 = tpu.matmul %max3A_23, %get3A_26, %dot_general3A {dimension_numbers = #tpu.dot_dimension_numbers<[1], [0], [0], [1], [0, 0, 1, 1], [], []>, transpose_lhs_hint = false} : vector<2000x32xf32>, vector<32x40xf32>, vector<2000x40xf32> -> vector<2000x40xf32>
    %mul3A_28 = vector.broadcast %get3A_1 : vector<2000x1xf32> to vector<2000x40xf32>
    %mul3A_29 = arith.mulf %mul3A_28, %dot_general3A_27 : vector<2000x40xf32>
    %swap3A = arith.constant 0 : index
    %swap3A_30 = arith.constant 0 : index
    %swap3A_31 = vector.load %arg6[%swap3A, %swap3A_30] : memref<2000x40xf32, #tpu.memory_space<vmem>>, vector<2000x40xf32>
    tpu.vector_store %arg6[%swap3A, %swap3A_30], %mul3A_29 {strides = array<i32>} : memref<2000x40xf32, #tpu.memory_space<vmem>>, vector<2000x40xf32>,
    return
  }
  func.func @transform_0(%arg0: i32) -> (i32, i32, i32) {
    %c0_i32 = arith.constant 0 : i32
    %c0_i32_0 = arith.constant 0 : i32
    %c0_i32_1 = arith.constant 0 : i32
    return %c0_i32, %arg0, %c0_i32_0 : i32, i32, i32
  }
  func.func @transform_1(%arg0: i32) -> (i32, i32) {
    %c0_i32 = arith.constant 0 : i32
    %c0_i32_0 = arith.constant 0 : i32
    return %arg0, %c0_i32 : i32, i32
  }
  func.func @transform_2(%arg0: i32) -> (i32, i32) {
    %c0_i32 = arith.constant 0 : i32
    %c0_i32_0 = arith.constant 0 : i32
    return %arg0, %c0_i32 : i32, i32
  }
  func.func @transform_3(%arg0: i32) -> (i32, i32) {
    %c0_i32 = arith.constant 0 : i32
    %c0_i32_0 = arith.constant 0 : i32
    %c0_i32_1 = arith.constant 0 : i32
    return %c0_i32, %c0_i32_0 : i32, i32
  }
  func.func @transform_4(%arg0: i32) -> (i32, i32) {
    %c0_i32 = arith.constant 0 : i32
    %c0_i32_0 = arith.constant 0 : i32
    %c0_i32_1 = arith.constant 0 : i32
    return %c0_i32, %c0_i32_0 : i32, i32
  }
  func.func @transform_5(%arg0: i32) -> (i32, i32) {
    %c0_i32 = arith.constant 0 : i32
    %c0_i32_0 = arith.constant 0 : i32
    return %arg0, %c0_i32 : i32, i32
  }
}

module attributes {stable_mosaic.version = 14 : i64} {
  func.func @_tc3_body(%arg0: i32, %arg1: memref<2x2000x40xf32, #tpu.memory_space<vmem>>, %arg2: memref<2000x40xf32, #tpu.memory_space<vmem>>, %arg3: memref<2000x1xf32, #tpu.memory_space<vmem>>, %arg4: memref<1x40xf32, #tpu.memory_space<vmem>>, %arg5: memref<2000x40xf32, #tpu.memory_space<vmem>>) attributes {dimension_semantics = [#tpu.dimension_semantics<arbitrary>], iteration_bounds = array<i64: 5>, scalar_prefetch = 0 : i64, scratch_operands = 0 : i64, tpu.core_type = #tpu.core_type<tc>, window_params = [{transform_indices = @transform_0, window_bounds = array<i64: 2, 2000, 40>}, {transform_indices = @transform_1, window_bounds = array<i64: 2000, 40>}, {transform_indices = @transform_2, window_bounds = array<i64: 2000, 1>}, {pipeline_mode = #tpu.pipeline_mode<synchronous>, transform_indices = @transform_3, window_bounds = array<i64: 1, 40>}, {transform_indices = @transform_4, window_bounds = array<i64: 2000, 40>}]} {
    %get3A = arith.constant 0 : index
    %get3A_0 = arith.constant 0 : index
    %get3A_1 = vector.load %arg3[%get3A, %get3A_0] : memref<2000x1xf32, #tpu.memory_space<vmem>>, vector<2000x1xf32>
    %get3A_2 = arith.constant 0 : index
    %get3A_3 = arith.constant 0 : index
    %get3A_4 = arith.constant 0 : index
    %get3A_5 = vector.load %arg1[%get3A_2, %get3A_3, %get3A_4] : memref<2x2000x40xf32, #tpu.memory_space<vmem>>, vector<1x2000x40xf32>
    %get3A_6 = vector.shape_cast %get3A_5 : vector<1x2000x40xf32> to vector<2000x40xf32>
    %get3A_7 = arith.constant 1 : index
    %get3A_8 = arith.constant 0 : index
    %get3A_9 = arith.constant 0 : index
    %get3A_10 = vector.load %arg1[%get3A_7, %get3A_8, %get3A_9] : memref<2x2000x40xf32, #tpu.memory_space<vmem>>, vector<1x2000x40xf32>
    %get3A_11 = vector.shape_cast %get3A_10 : vector<1x2000x40xf32> to vector<2000x40xf32>
    %add3A = arith.addf %get3A_6, %get3A_11 : vector<2000x40xf32>
    %get3A_12 = arith.constant 0 : index
    %get3A_13 = arith.constant 0 : index
    %get3A_14 = vector.load %arg2[%get3A_12, %get3A_13] : memref<2000x40xf32, #tpu.memory_space<vmem>>, vector<2000x40xf32>
    %add3A_15 = arith.addf %add3A, %get3A_14 : vector<2000x40xf32>
    %mul3A = vector.broadcast %get3A_1 : vector<2000x1xf32> to vector<2000x40xf32>
    %mul3A_16 = arith.mulf %mul3A, %add3A_15 : vector<2000x40xf32>
    %get3A_17 = arith.constant 0 : index
    %get3A_18 = arith.constant 0 : index
    %get3A_19 = vector.load %arg4[%get3A_17, %get3A_18] : memref<1x40xf32, #tpu.memory_space<vmem>>, vector<1x40xf32>
    %add3A_20 = vector.broadcast %get3A_19 : vector<1x40xf32> to vector<2000x40xf32>
    %add3A_21 = arith.addf %mul3A_16, %add3A_20 : vector<2000x40xf32>
    %reduce_max3A = arith.constant dense<0xFF800000> : vector<2000xf32>
    %reduce_max3A_22 = vector.multi_reduction <maximumf>, %add3A_21, %reduce_max3A [1] : vector<2000x40xf32> to vector<2000xf32>
    %broadcast_in_dim3A = vector.shape_cast %reduce_max3A_22 : vector<2000xf32> to vector<2000x1xf32>
    %sub3A = vector.broadcast %broadcast_in_dim3A : vector<2000x1xf32> to vector<2000x40xf32>
    %sub3A_23 = arith.subf %add3A_21, %sub3A : vector<2000x40xf32>
    %exp3A = math.exp %sub3A_23 : vector<2000x40xf32>
    %reduce_sum3A = arith.constant dense<0.000000e+00> : vector<2000xf32>
    %reduce_sum3A_24 = vector.multi_reduction <add>, %exp3A, %reduce_sum3A [1] : vector<2000x40xf32> to vector<2000xf32>
    %broadcast_in_dim3A_25 = vector.shape_cast %reduce_sum3A_24 : vector<2000xf32> to vector<2000x1xf32>
    %log3A = math.log %broadcast_in_dim3A_25 : vector<2000x1xf32>
    %add3A_26 = arith.addf %log3A, %broadcast_in_dim3A : vector<2000x1xf32>
    %sub3A_27 = vector.broadcast %add3A_26 : vector<2000x1xf32> to vector<2000x40xf32>
    %sub3A_28 = arith.subf %add3A_21, %sub3A_27 : vector<2000x40xf32>
    %swap3A = arith.constant 0 : index
    %swap3A_29 = arith.constant 0 : index
    %swap3A_30 = vector.load %arg5[%swap3A, %swap3A_29] : memref<2000x40xf32, #tpu.memory_space<vmem>>, vector<2000x40xf32>
    tpu.vector_store %arg5[%swap3A, %swap3A_29], %sub3A_28 {strides = array<i32>} : memref<2000x40xf32, #tpu.memory_space<vmem>>, vector<2000x40xf32>,
    return
  }
  func.func @transform_0(%arg0: i32) -> (i32, i32, i32) {
    %c0_i32 = arith.constant 0 : i32
    %c0_i32_0 = arith.constant 0 : i32
    %c0_i32_1 = arith.constant 0 : i32
    return %c0_i32, %arg0, %c0_i32_0 : i32, i32, i32
  }
  func.func @transform_1(%arg0: i32) -> (i32, i32) {
    %c0_i32 = arith.constant 0 : i32
    %c0_i32_0 = arith.constant 0 : i32
    return %arg0, %c0_i32 : i32, i32
  }
  func.func @transform_2(%arg0: i32) -> (i32, i32) {
    %c0_i32 = arith.constant 0 : i32
    %c0_i32_0 = arith.constant 0 : i32
    return %arg0, %c0_i32 : i32, i32
  }
  func.func @transform_3(%arg0: i32) -> (i32, i32) {
    %c0_i32 = arith.constant 0 : i32
    %c0_i32_0 = arith.constant 0 : i32
    %c0_i32_1 = arith.constant 0 : i32
    return %c0_i32, %c0_i32_0 : i32, i32
  }
  func.func @transform_4(%arg0: i32) -> (i32, i32) {
    %c0_i32 = arith.constant 0 : i32
    %c0_i32_0 = arith.constant 0 : i32
    return %arg0, %c0_i32 : i32, i32
  }
}

</mosaic_0001>

<sc_bundles>
// kernel: kernel.11.cloned.1.call-start
scs
__scs_entry_jumppad:
0x0: {  	(pc) =	sbr.rel $0x88, $3  }
0x1: {  	(tag) =	ssettag $0x0;
	lr =	simm.s32 $0x1  }
0x2: {  	[smem:$0x3F9B] =	sst lr;
	_ =	strace $0xD0000000  }
0x3: {  	_ = 	snop  }
0x4: {  	_ = 	snop  }
0x5: {  	_ = 	snop  }
0x6: {  	_ = 	snop  }
0x7: {  	_ = 	snop  }
__scs_overlays_trampoline_lowered:
0x8: {  	[smem:$0x3FAA] =	sst s0  }
0x9: {  	[smem:$0x3FAB] =	sst s1  }
0xa: {  	[smem:$0x3FAC] =	sst s2  }
0xb: {  	[smem:$0x3FAD] =	sst s3  }
0xc: {  	[smem:$0x3FAE] =	sst s4  }
0xd: {  	[smem:$0x3FAF] =	sst s5  }
0xe: {  	[smem:$0x3FB0] =	sst s6  }
0xf: {  	[smem:$0x3FB1] =	sst s7  }
0x10: {  	[smem:$0x3FB2] =	sst s8  }
0x11: {  	[smem:$0x3FB3] =	sst s9;
	s0 =	simm.s32 @!p0 $0x0  }
0x12: {  	s1 =	sld [smem:$0x3F99];
	s0 =	simm.s32 @p0 $0x1  }
0x13: {  	[smem:$0x3FB4] =	sst s0;
	s0 =	simm.s32 @!p1 $0x0  }
0x14: {  	s2 =	sld [smem:$0x3F98];
	s0 =	simm.s32 @p1 $0x1  }
0x15: {  	[smem:$0x3FB5] =	sst s0;
	s0 =	simm.s32 @!p2 $0x0  }
0x16: {  	s3 =	sld [smem:$0x3FDB];
	s0 =	simm.s32 @p2 $0x1  }
0x17: {  	s4 =	simm.s32 $0x1BF5;
	[smem:$0x3FB7] =	sst s0  }
0x18: {  	s0 =	sld [smem:$0x3F9A];
	_ =	swait.ge [sflag:s4], $0x0  }
0x19: {  	s7 =	sld [smem:$0x3F9B]  }
0x1a: {  	s8 =	sadd.s32 $0xFFFFE003, lr  }
0x1b: {  	s9 =	sadd.s32 $0xFFFFFEF7, lr;
	s5 =	simm.s32 $0xFFFFFFFF;
	p2 =	slt.u32 s8, $0xFFFFF086  }
0x1c: {  	p1 =	slt.u32 s9, $0xF7A;
	s5 =	simm.s32 @!p2 $0x0  }
0x1d: {  	s5 =	simm.s32 @p1 $0x1;
	p0 =	seq.s32 s7, s2  }
0x1e: {  	s7 =	smul.u32 @!p0 $0xF7A, s2;
	p2 =	seq.s32 @!p0 s5, $0x0  }
0x1f: {  	s9 =	smul.u32 $0xF7A, s1;
	s8 =	simm.s32 @!p0 $0x1BF5;
	p2 =	por !p2, p0  }
0x20: {  	[sflag:s8] =	ssyncset.s32 @!p0 $0xFFFFF086;
	s6 =	sadd.s32 @!p0 s3, s7;
	s7 =	simm.s32 @!p0 $0x108  }
0x21: {  	s3 =	sadd.s32 s3, s9;
	s6 =	sadd.s32 @!p0 $0x88, s6;
	s7 =	simm.s32 @p2 $0x1082  }
0x22: {  	[simem:s7], [sflag:s8] =	dma.local @!p0 [hbm:s6], $0xF7A  }
0x23: {  	s9 =	sor.u32 $0xD0000000, s2;
	s6 =	simm.s32 $0x108;
	_ =	swait.ge @!p0 [sflag:s8], $0x0  }
0x24: {  	s3 =	sadd.s32 $0x88, s3;
	s6 =	simm.s32 @!p1 $0x1082;
	[sflag:s4] =	ssyncset.s32 $0xFFFFF086  }
0x25: {  	[simem:s6], [sflag:s4] =	dma.local [hbm:s3], $0xF7A  }
0x26: {  	[smem:$0x3F9B] =	sst s1;
	(tag) =	ssettag s2;
	_ =	strace s9  }
0x27: {  	s1 =	sld [smem:$0x3FAB]  }
0x28: {  	s2 =	sld [smem:$0x3FAC]  }
0x29: {  	s4 =	sld [smem:$0x3FAE]  }
0x2a: {  	p0 =	seq.s32 s5, $0x0;
	s5 =	sld [smem:$0x3FAF]  }
0x2b: {  	s6 =	sld [smem:$0x3FB0]  }
0x2c: {  	s7 =	sld [smem:$0x3FB1]  }
0x2d: {  	s3 =	simm.s32 $0x108;
	s8 =	sld [smem:$0x3FB2]  }
0x2e: {  	s3 =	simm.s32 @!p0 $0x1082;
	s9 =	sld [smem:$0x3FB3]  }
0x2f: {  	lr =	sadd.s32 s0, s3;
	s0 =	sld [smem:$0x3FAA]  }
0x30: {  	s3 =	sld [smem:$0x3FAD]  }
0x31: {  	[smem:$0x3FB6] =	sst s10  }
0x32: {  	s10 =	sld [smem:$0x3FB4];
	_ =	sdelay $0x3  }
0x33: {  	p0 =	seq.s32 s10, $0x1;
	s10 =	sld [smem:$0x3FB6];
	_ =	sdelay $0x3  }
0x34: {  	[smem:$0x3FB6] =	sst s10  }
0x35: {  	s10 =	sld [smem:$0x3FB5];
	_ =	sdelay $0x3  }
0x36: {  	p1 =	seq.s32 s10, $0x1;
	s10 =	sld [smem:$0x3FB6];
	_ =	sdelay $0x3  }
0x37: {  	[smem:$0x3FB6] =	sst s10  }
0x38: {  	s10 =	sld [smem:$0x3FB7]  }
0x39: {  	_ = 	snop;
	(pc) =	sbr.ind lr, $3  }
0x3a: {  	_ = 	snop  }
0x3b: {  	_ = 	snop  }
0x3c: {  	p2 =	seq.s32 s10, $0x1;
	s10 =	sld [smem:$0x3FB6]  }
0x3d: {  	_ =	shalt  }
0x3e: {  	_ =	shalt  }
0x3f: {  	_ =	shalt  }
0x40: {  	_ =	shalt  }
0x41: {  	_ =	shalt  }
0x42: {  	_ =	shalt  }
0x43: {  	_ =	shalt  }
0x44: {  	_ =	shalt  }
0x45: {  	_ =	shalt  }
0x46: {  	_ =	shalt  }
0x47: {  	_ =	shalt  }
0x48: {  	_ =	shalt  }
0x49: {  	_ =	shalt  }
0x4a: {  	_ =	shalt  }
0x4b: {  	_ =	shalt  }
0x4c: {  	_ =	shalt  }
0x4d: {  	_ =	shalt  }
0x4e: {  	_ =	shalt  }
0x4f: {  	_ =	shalt  }
0x50: {  	_ =	shalt  }
0x51: {  	_ =	shalt  }
0x52: {  	_ =	shalt  }
0x53: {  	_ =	shalt  }
0x54: {  	_ =	shalt  }
0x55: {  	_ =	shalt  }
0x56: {  	_ =	shalt  }
0x57: {  	_ =	shalt  }
0x58: {  	_ =	shalt  }
0x59: {  	_ =	shalt  }
0x5a: {  	_ =	shalt  }
0x5b: {  	_ =	shalt  }
0x5c: {  	_ =	shalt  }
0x5d: {  	_ =	shalt  }
0x5e: {  	_ =	shalt  }
0x5f: {  	_ =	shalt  }
0x60: {  	_ =	shalt  }
0x61: {  	_ =	shalt  }
0x62: {  	_ =	shalt  }
0x63: {  	_ =	shalt  }
0x64: {  	_ =	shalt  }
0x65: {  	_ =	shalt  }
0x66: {  	_ =	shalt  }
0x67: {  	_ =	shalt  }
0x68: {  	_ =	shalt  }
0x69: {  	_ =	shalt  }
0x6a: {  	_ =	shalt  }
0x6b: {  	_ =	shalt  }
0x6c: {  	_ =	shalt  }
0x6d: {  	_ =	shalt  }
0x6e: {  	_ =	shalt  }
0x6f: {  	_ =	shalt  }
0x70: {  	_ =	shalt  }
0x71: {  	_ =	shalt  }
0x72: {  	_ =	shalt  }
0x73: {  	_ =	shalt  }
0x74: {  	_ =	shalt  }
0x75: {  	_ =	shalt  }
0x76: {  	_ =	shalt  }
0x77: {  	_ =	shalt  }
0x78: {  	_ =	shalt  }
0x79: {  	_ =	shalt  }
0x7a: {  	_ =	shalt  }
0x7b: {  	_ =	shalt  }
0x7c: {  	_ =	shalt  }
0x7d: {  	_ =	shalt  }
0x7e: {  	_ =	shalt  }
0x7f: {  	_ =	shalt  }
0x80: {  	_ =	shalt  }
0x81: {  	_ =	shalt  }
0x82: {  	_ =	shalt  }
0x83: {  	_ =	shalt  }
0x84: {  	_ =	shalt  }
0x85: {  	_ =	shalt  }
0x86: {  	_ =	shalt  }
0x87: {  	_ =	shalt  }
.Lfunc_end0:
.L_simem_size_0:
called_computation.1_lowered:
.L_overlay_start_0:
0x88: {  	s2 =	sld [smem:$0x3FD9]  }
0x89: {  	s3 =	sld [smem:$0x3FFE];
	_ =	sdelay $0x1  }
0x8a: {  	s1 =	srdreg.scid  }
0x8b: {  	s0 =	sand.u32 $0x1, s1  }
0x8c: {  	s17 =	sshll.u32 s0, $0xA;
	s2 =	sadd.s32 s3, s2  }
0x8d: {  	s2 =	sadd.s32 s2, s17  }
0x8e: {  	[smem:$0x3FC2] =	sst s2  }
0x8f: {  	_ = 	snop  }
0x90: {  	s2 =	sld [smem:$0x3FD0];
	(tm) =	ssettm $0x1  }
0x91: {  	s18 =	sld [smem:$0x3FFB];
	_ =	sdelay $0x3  }
0x92: {  	_ =	strace s18  }
0x93: {  	s3 =	sld [smem:$0x3FFC];
	_ =	sdelay $0x3  }
0x94: {  	_ =	strace s3  }
0x95: {  	s3 =	sld [smem:$0x3FFD];
	_ =	sdelay $0x3  }
0x96: {  	_ =	strace s3  }
0x97: {  	_ =	strace $0x8FFFFFFF  }
0x98: {  	s19 =	sld [smem:$0x3FDB];
	_ =	sdelay $0x1  }
0x99: {  	s4 =	simm.s32 $_scs_section_size  }
0x9a: {  	s5 =	simm.s32 $_size__tile_overlayer_lowered;
	s6 =	simm.s32 $_tile_overlayer_lowered  }
0x9b: {  	s22 =	simm.s32 $0x1BFF;
	s21 =	sshll.u32 s6, $0x1;
	s3 =	sadd.s32 s4, s19  }
0x9c: {  	s7 =	simm.s32 $0x0;
	s20 =	sshll.u32 s5, $0x1;
	s5 =	sadd.s32 s21, s3  }
0x9d: {  	[timem:s7], [sflag:s22] =	dma.local [hbm:s5], s20  }
0x9e: {  	_ =	swait.ge [sflag:s22], s20  }
0x9f: {  	s4 =	ssub.s32 $0x0, s20;
	[sflag:s22] =	ssyncset.done $0x0  }
0xa0: {  	[sflag:s22] =	ssyncadd.s32 s4;
	_ =	sdelay $0x1  }
0xa1: {  	s23 =	simm.s32 $0x1B8B  }
0xa2: {  	_ =	swait.ge [sflag:s23], $0x1  }
0xa3: {  	[sflag:s23] =	ssyncset.done $0x0  }
0xa4: {  	s25 =	simm.s32 $0x1B8E;
	s24 =	sld [smem:$0x3FFE];
	[sflag:s23] =	ssyncadd.s32 $0xFFFFFFFF  }
0xa5: {  	s26 =	simm.s32 $execute0_lowered;
	[smem:$0x3FD2] =	sst s25  }
0xa6: {  	s5 =	sshll.u32 s26, $0x1;
	_ =	strace $0x80000049;
	[dreg:$0x1] =	wrdreg $0xFFFFFFFF  }
0xa7: {  	s28 =	simm.s32 $_size_execute0_lowered;
	s3 =	sadd.s32 s3, s5;
	[dreg:$0x0] =	wrdreg $0x0  }
0xa8: {  	s5 =	sshll.u32 s28, $0x1;
	[dreg:$0x2] =	wrdreg s3  }
0xa9: {  	[dreg:$0x3] =	wrdreg s5  }
0xaa: {  	[dreg:$0x4] =	wrdreg $0xC0  }
0xab: {  	_ =	task [dreg:s7], $0x5FFFF  }
0xac: {  	[dreg:$0x1] =	wrdreg $0xFFFFFFFF  }
0xad: {  	[dreg:$0x0] =	wrdreg $0x60  }
0xae: {  	[dreg:$0x2] =	wrdreg s24  }
0xaf: {  	[dreg:$0x3] =	wrdreg s2  }
0xb0: {  	[dreg:$0x4] =	wrdreg $0x90000  }
0xb1: {  	[dreg:$0x5] =	wrdreg $0x9  }
0xb2: {  	_ =	task.clear_ibuf [dreg:s7], $0x6FFFF;
	_ =	strace $0x90000049  }
0xb3: {  	s29 =	simm.s32 $0x9;
	_ =	strace $0x8000004B  }
0xb4: {  	_ =	swait.ge [sflag:s29], $0x1  }
0xb5: {  	[sflag:s29] =	ssyncadd.s32 $0xFFFFFFFF  }
0xb6: {  	_ =	strace $0x9000004B  }
0xb7: {  	_ =	sfence  }
0xb8: {  	s30 =	sld [smem:$0x0];
	_ =	sdelay $0x2  }
0xb9: {  	s31 =	sshll.u32 s1, $0xD;
	s1 =	sshrl.u32 s1, $0x2  }
0xba: {  	s3 =	sand.u32 $0x4000, s31;
	s1 =	sadd.s32 s1, s30  }
0xbb: {  	s0 =	sor.u32 s3, s0;
	s1 =	sshll.u32 s1, $0x11  }
0xbc: {  	s0 =	sor.u32 s1, s0  }
0xbd: {  	s0 =	sadd.s32 $0x8F2B, s0  }
0xbe: {  	[sflag:s0] =	ssyncadd.remote.s32 $0x1  }
0xbf: {  	_ =	sfence.sel $0xFFFF  }
0xc0: {  	[dreg:$0x0] =	wrdreg $0xFFFFFFFF;
	(pc) =	sbr.abs _section_cstart, $3  }
0xc1: {  	[dreg:$0x1] =	wrdreg $0xFFFFFFFF  }
0xc2: {  	_ =	task.clear_ibuf [dreg:s7], $0x2FFFF;
	_ =	strace $0x9FFFFFFF  }
0xc3: {  	(tm) =	ssettm $0x7FFFFFFF  }
tec
execute0_lowered:
.L_overlay_start_1:
0x0: {  	(tag) =	ssettag $0x1  }
0x1: {  	s1 =	rddreg [dreg:$0x0]  }
0x2: {  	s0 =	srdreg.scid;
	s5 =	rddreg [dreg:$0x1]  }
0x3: {  	s10 =	stileid.u32;
	s2 =	rddreg [dreg:$0x2];
	s12 =	simm.s32 $0x5  }
0x4: {  	s14 =	simm.s32 $0x80;
	s15 =	simm.s32 $0x5000;
	s16 =	simm.s32 $0x6000  }
0x5: {  	s18 =	simm.s32 $0x7000;
	s19 =	simm.s32 $0x8000;
	s20 =	simm.s32 $0x1  }
0x6: {  	s21 =	simm.s32 $0x2;
	s22 =	simm.s32 $0x3;
	s23 =	simm.s32 $0x4  }
0x7: {  	s24 =	simm.s32 $0x2780;
	s28 =	simm.s32 $0x4F00;
	s29 =	simm.s32 $0x4F80  }
0x8: {  	s30 =	simm.s32 $0x0;
	s0 =	sand.u32 $0x1, s0;
	s6 =	smul.u32 $0x9E0, s10  }
0x9: {  	s9 =	smul.u32 $0x4F00, s10;
	s31 =	sshll.u32 s10, $0x6;
	s3 =	sshll.u32 s0, $0x4  }
0xa: {  	s7 =	smul.u32 $0x9E00, s0;
	s0 =	ssub.s32 $0x2, s0;
	s4 =	sor.u32 s10, s3  }
0xb: {  	s3 =	simm.s32 $0x0;
	s25 =	sshrl.u32 s0, $0x1;
	s26 =	sshrl.u32 s9, $0x3  }
0xc: {  	s11 =	sadd.s32 s9, s2;
	s4 =	smul.u32 $0x500, s4;
	[smem:$0x7FF] =	sst s3  }
0xd: {  	s6 =	sadd.s32 s6, s7;
	s0 =	ssub.s32 s0, s25;
	s5 =	sadd.s32 s5, s26  }
0xe: {  	s11 =	sshrl.u32 s11, $0x3;
	s25 =	simm.s32 $0x4E00;
	s26 =	simm.s32 $0x4E80  }
0xf: {  	_ =	strace $0x8000004A;
	s10 =	smax.u32 s0, $0x1;
	s8 =	sadd.s32 s4, s1  }
0x10: {  	s4 =	sadd.s32 $0x1AC00, s1;
	s1 =	sadd.s32 s6, s1;
	s6 =	sor.u32 $0x1C05, s31  }
0x11: {  	s7 =	sadd.s32 $0x10C00, s8;
	s8 =	sadd.s32 $0x1600, s8;
	s9 =	sadd.s32 $0x24A00, s1  }
.LBB2_1:
0x12: {  	[spmem:s11], [sflag:s6] =	dma.local [hbm:s5], $0x9E0  }
0x13: {  	_ =	swait.ge [sflag:s12], $0x9E0  }
0x14: {  	[sflag:s12] =	ssyncset.done $0x0  }
0x15: {  	[sflag:s12] =	ssyncadd.s32 $0xFFFFF620  }
0x16: {  	[tilespmem:s3], [sflag:$0x5] =	stream.linear.gather [hbm4b:s7+s3], $0x2800, $0x38;
	[tilespmem:$0xDF00] =	vst v63  }
0x17: {  	_ =	swait.ge [sflag:s12], $0x2800  }
0x18: {  	[sflag:s12] =	ssyncset.done $0x0  }
0x19: {  	s0 =	simm.s32 $0x2800;
	[sflag:s12] =	ssyncadd.s32 $0xFFFFD800  }
0x1a: {  	[tilespmem:s0], [sflag:$0x5] =	stream.linear.gather [hbm4b:s8+s3], $0x2800, $0x38;
	[tilespmem:$0xDF00] =	vst v63  }
0x1b: {  	_ =	swait.ge [sflag:s12], $0x2800  }
0x1c: {  	[sflag:s12] =	ssyncset.done $0x0  }
0x1d: {  	[sflag:s12] =	ssyncadd.s32 $0xFFFFD800  }
0x1e: {  	[bflag:$0x0] =	sbarrier.arrive $0xFFFF  }
0x1f: {  	[tilespmem:s15], [sflag:$0x1] =	stream.indirect.gather [hbm4b:s4+s14], $0x20, s3, s14, $0xb8;
	[tilespmem:$0xDF00] =	vst v63  }
0x20: {  	_ = 	snop  }
0x21: {  	[tilespmem:s16], [sflag:$0x2] =	stream.indirect.gather [hbm4b:s4+s14], $0x20, s14, s14, $0xb8;
	[tilespmem:$0xDF00] =	vst v63  }
0x22: {  	s1 =	simm.s32 $0x100  }
0x23: {  	[tilespmem:s18], [sflag:$0x3] =	stream.indirect.gather [hbm4b:s4+s14], $0x20, s1, s14, $0xb8;
	[tilespmem:$0xDF00] =	vst v63  }
0x24: {  	s13 =	simm.s32 $0x180  }
0x25: {  	[tilespmem:s19], [sflag:$0x4] =	stream.indirect.gather [hbm4b:s4+s14], $0x20, s13, s14, $0xb8;
	[tilespmem:$0xDF00] =	vst v63  }
0x26: {  	_ =	swait.ge [sflag:s20], $0x1000  }
0x27: {  	[sflag:s20] =	ssyncset.done $0x0  }
0x28: {  	s17 =	simm.s32 $0x2800;
	[sflag:s20] =	ssyncadd.s32 $0xFFFFF000  }
0x29: {  	[spmem:s2] =	stream.indirect.scatter.add.f32 [tilespmem:s15], [sflag:$0x5], $0x20, s17, s14, $0xb8;
	[tilespmem:$0xDF00] =	vst v63  }
0x2a: {  	_ =	swait.ge [sflag:s12], $0x1000  }
0x2b: {  	[sflag:s12] =	ssyncset.done $0x0  }
0x2c: {  	s1 =	simm.s32 $0x200;
	[sflag:s12] =	ssyncadd.s32 $0xFFFFF000  }
0x2d: {  	[tilespmem:s15], [sflag:$0x1] =	stream.indirect.gather [hbm4b:s4+s14], $0x20, s1, s14, $0xb8;
	[tilespmem:$0xDF00] =	vst v63  }
0x2e: {  	_ =	swait.ge [sflag:s21], $0x1000  }
0x2f: {  	[sflag:s21] =	ssyncset.done $0x0  }
0x30: {  	s13 =	simm.s32 $0x2880;
	[sflag:s21] =	ssyncadd.s32 $0xFFFFF000  }
0x31: {  	[spmem:s2] =	stream.indirect.scatter.add.f32 [tilespmem:s16], [sflag:$0x5], $0x20, s13, s14, $0xb8;
	[tilespmem:$0xDF00] =	vst v63  }
0x32: {  	_ =	swait.ge [sflag:s12], $0x1000  }
0x33: {  	[sflag:s12] =	ssyncset.done $0x0  }
0x34: {  	s17 =	simm.s32 $0x280;
	[sflag:s12] =	ssyncadd.s32 $0xFFFFF000  }
0x35: {  	[tilespmem:s16], [sflag:$0x2] =	stream.indirect.gather [hbm4b:s4+s14], $0x20, s17, s14, $0xb8;
	[tilespmem:$0xDF00] =	vst v63  }
0x36: {  	_ =	swait.ge [sflag:s22], $0x1000  }
0x37: {  	[sflag:s22] =	ssyncset.done $0x0  }
0x38: {  	s1 =	simm.s32 $0x2900;
	[sflag:s22] =	ssyncadd.s32 $0xFFFFF000  }
0x39: {  	[spmem:s2] =	stream.indirect.scatter.add.f32 [tilespmem:s18], [sflag:$0x5], $0x20, s1, s14, $0xb8;
	[tilespmem:$0xDF00] =	vst v63  }
0x3a: {  	_ =	swait.ge [sflag:s12], $0x1000  }
0x3b: {  	[sflag:s12] =	ssyncset.done $0x0  }
0x3c: {  	s13 =	simm.s32 $0x300;
	[sflag:s12] =	ssyncadd.s32 $0xFFFFF000  }
0x3d: {  	[tilespmem:s18], [sflag:$0x3] =	stream.indirect.gather [hbm4b:s4+s14], $0x20, s13, s14, $0xb8;
	[tilespmem:$0xDF00] =	vst v63  }
0x3e: {  	_ =	swait.ge [sflag:s23], $0x1000  }
0x3f: {  	[sflag:s23] =	ssyncset.done $0x0  }
0x40: {  	s17 =	simm.s32 $0x2980;
	[sflag:s23] =	ssyncadd.s32 $0xFFFFF000  }
0x41: {  	[spmem:s2] =	stream.indirect.scatter.add.f32 [tilespmem:s19], [sflag:$0x5], $0x20, s17, s14, $0xb8;
	[tilespmem:$0xDF00] =	vst v63  }
0x42: {  	_ =	swait.ge [sflag:s12], $0x1000  }
0x43: {  	s31 =	simm.s32 $0x200;
	s1 =	simm.s32 $0x1000;
	[sflag:s12] =	ssyncset.done $0x0  }
.LBB2_2:
0x44: {  	s17 =	sadd.s32 $0x180, s31  }
0x45: {  	[sflag:s12] =	ssyncadd.s32 $0xFFFFF000;
	s0 =	smov.u32 s1;
	s13 =	sadd.s32 $0x800, s1  }
0x46: {  	[tilespmem:s19], [sflag:$0x4] =	stream.indirect.gather [hbm4b:s4+s14], $0x20, s17, s14, $0xb8;
	[tilespmem:$0xDF00] =	vst v63  }
0x47: {  	p0 =	sne.s32 s1, $0x9000;
	_ =	swait.ge [sflag:s20], $0x1000  }
0x48: {  	[sflag:s20] =	ssyncset.done $0x0  }
0x49: {  	s1 =	sadd.s32 $0x2800, s31;
	[sflag:s20] =	ssyncadd.s32 $0xFFFFF000  }
0x4a: {  	[spmem:s2] =	stream.indirect.scatter.add.f32 [tilespmem:s15], [sflag:$0x5], $0x20, s1, s14, $0xb8;
	[tilespmem:$0xDF00] =	vst v63  }
0x4b: {  	_ =	swait.ge [sflag:s12], $0x1000  }
0x4c: {  	[sflag:s12] =	ssyncset.done $0x0  }
0x4d: {  	s1 =	sadd.s32 $0x200, s31;
	[sflag:s12] =	ssyncadd.s32 $0xFFFFF000  }
0x4e: {  	[tilespmem:s15], [sflag:$0x1] =	stream.indirect.gather [hbm4b:s4+s14], $0x20, s1, s14, $0xb8;
	[tilespmem:$0xDF00] =	vst v63  }
0x4f: {  	_ =	swait.ge [sflag:s21], $0x1000  }
0x50: {  	[sflag:s21] =	ssyncset.done $0x0  }
0x51: {  	s1 =	sadd.s32 $0x2880, s31;
	[sflag:s21] =	ssyncadd.s32 $0xFFFFF000  }
0x52: {  	[spmem:s2] =	stream.indirect.scatter.add.f32 [tilespmem:s16], [sflag:$0x5], $0x20, s1, s14, $0xb8;
	[tilespmem:$0xDF00] =	vst v63  }
0x53: {  	_ =	swait.ge [sflag:s12], $0x1000  }
0x54: {  	[sflag:s12] =	ssyncset.done $0x0  }
0x55: {  	s1 =	sadd.s32 $0x280, s31;
	[sflag:s12] =	ssyncadd.s32 $0xFFFFF000  }
0x56: {  	[tilespmem:s16], [sflag:$0x2] =	stream.indirect.gather [hbm4b:s4+s14], $0x20, s1, s14, $0xb8;
	[tilespmem:$0xDF00] =	vst v63  }
0x57: {  	_ =	swait.ge [sflag:s22], $0x1000  }
0x58: {  	[sflag:s22] =	ssyncset.done $0x0  }
0x59: {  	s1 =	sadd.s32 $0x2900, s31;
	[sflag:s22] =	ssyncadd.s32 $0xFFFFF000  }
0x5a: {  	[spmem:s2] =	stream.indirect.scatter.add.f32 [tilespmem:s18], [sflag:$0x5], $0x20, s1, s14, $0xb8;
	[tilespmem:$0xDF00] =	vst v63  }
0x5b: {  	_ =	swait.ge [sflag:s12], $0x1000  }
0x5c: {  	[sflag:s12] =	ssyncset.done $0x0  }
0x5d: {  	s1 =	sadd.s32 $0x300, s31;
	[sflag:s12] =	ssyncadd.s32 $0xFFFFF000  }
0x5e: {  	[tilespmem:s18], [sflag:$0x3] =	stream.indirect.gather [hbm4b:s4+s14], $0x20, s1, s14, $0xb8;
	[tilespmem:$0xDF00] =	vst v63  }
0x5f: {  	_ =	swait.ge [sflag:s23], $0x1000  }
.Ltmp0:
0x60: {  	[sflag:s23] =	ssyncset.done $0x0;
	(pc) =	sbr.rel @p0 .LBB2_2-.Ltmp0, $4  }
0x61: {  	s1 =	sadd.s32 $0x2980, s31;
	[sflag:s23] =	ssyncadd.s32 $0xFFFFF000  }
0x62: {  	[spmem:s2] =	stream.indirect.scatter.add.f32 [tilespmem:s19], [sflag:$0x5], $0x20, s1, s14, $0xb8;
	[tilespmem:$0xDF00] =	vst v63  }
0x63: {  	_ =	swait.ge [sflag:s12], $0x1000  }
0x64: {  	s31 =	sshra.s32 s0, $0x2;
	s1 =	smov.u32 s13;
	[sflag:s12] =	ssyncset.done $0x0  }
0x65: {  	s0 =	sadd.s32 $0x180, s31;
	[sflag:s12] =	ssyncadd.s32 $0xFFFFF000  }
0x66: {  	[tilespmem:s19], [sflag:$0x4] =	stream.indirect.gather [hbm4b:s4+s14], $0x20, s0, s14, $0xb8;
	[tilespmem:$0xDF00] =	vst v63  }
0x67: {  	_ =	swait.ge [sflag:s20], $0x1000  }
0x68: {  	[sflag:s20] =	ssyncset.done $0x0  }
0x69: {  	s1 =	sadd.s32 $0x2800, s31;
	[sflag:s20] =	ssyncadd.s32 $0xFFFFF000  }
0x6a: {  	[spmem:s2] =	stream.indirect.scatter.add.f32 [tilespmem:s15], [sflag:$0x5], $0x20, s1, s14, $0xb8;
	[tilespmem:$0xDF00] =	vst v63  }
0x6b: {  	_ =	swait.ge [sflag:s12], $0x1000  }
0x6c: {  	[sflag:s12] =	ssyncset.done $0x0  }
0x6d: {  	s13 =	sadd.s32 $0x200, s31;
	[sflag:s12] =	ssyncadd.s32 $0xFFFFF000  }
0x6e: {  	[tilespmem:s15], [sflag:$0x1] =	stream.indirect.gather [hbm4b:s4+s14], $0x20, s13, s14, $0xb8;
	[tilespmem:$0xDF00] =	vst v63  }
0x6f: {  	_ =	swait.ge [sflag:s21], $0x1000  }
0x70: {  	[sflag:s21] =	ssyncset.done $0x0  }
0x71: {  	s17 =	sadd.s32 $0x2880, s31;
	[sflag:s21] =	ssyncadd.s32 $0xFFFFF000  }
0x72: {  	[spmem:s2] =	stream.indirect.scatter.add.f32 [tilespmem:s16], [sflag:$0x5], $0x20, s17, s14, $0xb8;
	[tilespmem:$0xDF00] =	vst v63  }
0x73: {  	_ =	swait.ge [sflag:s12], $0x1000  }
0x74: {  	[sflag:s12] =	ssyncset.done $0x0  }
0x75: {  	s1 =	sadd.s32 $0x280, s31;
	[sflag:s12] =	ssyncadd.s32 $0xFFFFF000  }
0x76: {  	[tilespmem:s16], [sflag:$0x2] =	stream.indirect.gather [hbm4b:s4+s14], $0x20, s1, s14, $0xb8;
	[tilespmem:$0xDF00] =	vst v63  }
0x77: {  	_ =	swait.ge [sflag:s22], $0x1000  }
0x78: {  	[sflag:s22] =	ssyncset.done $0x0  }
0x79: {  	s13 =	sadd.s32 $0x2900, s31;
	[sflag:s22] =	ssyncadd.s32 $0xFFFFF000  }
0x7a: {  	[spmem:s2] =	stream.indirect.scatter.add.f32 [tilespmem:s18], [sflag:$0x5], $0x20, s13, s14, $0xb8;
	[tilespmem:$0xDF00] =	vst v63  }
0x7b: {  	_ =	swait.ge [sflag:s12], $0x1000  }
0x7c: {  	[sflag:s12] =	ssyncset.done $0x0  }
0x7d: {  	s17 =	sadd.s32 $0x300, s31;
	[sflag:s12] =	ssyncadd.s32 $0xFFFFF000  }
0x7e: {  	[tilespmem:s18], [sflag:$0x3] =	stream.indirect.gather [hbm4b:s4+s14], $0x20, s17, s14, $0xb8;
	[tilespmem:$0xDF00] =	vst v63  }
0x7f: {  	_ =	swait.ge [sflag:s23], $0x1000  }
0x80: {  	[sflag:s23] =	ssyncset.done $0x0  }
0x81: {  	s31 =	sadd.s32 $0x2980, s31;
	[sflag:s23] =	ssyncadd.s32 $0xFFFFF000  }
0x82: {  	[spmem:s2] =	stream.indirect.scatter.add.f32 [tilespmem:s19], [sflag:$0x5], $0x20, s31, s14, $0xb8;
	[tilespmem:$0xDF00] =	vst v63  }
0x83: {  	_ =	swait.ge [sflag:s12], $0x1000  }
0x84: {  	[sflag:s12] =	ssyncset.done $0x0  }
0x85: {  	[sflag:s12] =	ssyncadd.s32 $0xFFFFF000  }
0x86: {  	[tilespmem:s19], [sflag:$0x4] =	stream.indirect.gather [hbm4b:s4+s14], $0x20, s24, s14, $0xb8;
	[tilespmem:$0xDF00] =	vst v63  }
0x87: {  	_ =	swait.ge [sflag:s20], $0x1000  }
0x88: {  	[sflag:s20] =	ssyncset.done $0x0  }
0x89: {  	[sflag:s20] =	ssyncadd.s32 $0xFFFFF000  }
0x8a: {  	[spmem:s2] =	stream.indirect.scatter.add.f32 [tilespmem:s15], [sflag:$0x5], $0x20, s25, s14, $0xb8;
	[tilespmem:$0xDF00] =	vst v63  }
0x8b: {  	_ =	swait.ge [sflag:s12], $0x1000  }
0x8c: {  	[sflag:s12] =	ssyncset.done $0x0  }
0x8d: {  	[sflag:s12] =	ssyncadd.s32 $0xFFFFF000  }
0x8e: {  	[tilespmem:s15], [sflag:$0x1] =	stream.indirect.gather [hbm4b:s4+s14], $0x20, s24, s14, $0xb8;
	[tilespmem:$0xDF00] =	vst v63  }
0x8f: {  	_ =	swait.ge [sflag:s21], $0x1000  }
0x90: {  	[sflag:s21] =	ssyncset.done $0x0  }
0x91: {  	[sflag:s21] =	ssyncadd.s32 $0xFFFFF000  }
0x92: {  	[spmem:s2] =	stream.indirect.scatter.add.f32 [tilespmem:s16], [sflag:$0x5], $0x20, s26, s14, $0xb8;
	[tilespmem:$0xDF00] =	vst v63  }
0x93: {  	_ =	swait.ge [sflag:s12], $0x1000  }
0x94: {  	[sflag:s12] =	ssyncset.done $0x0  }
0x95: {  	[sflag:s12] =	ssyncadd.s32 $0xFFFFF000  }
0x96: {  	[tilespmem:s16], [sflag:$0x2] =	stream.indirect.gather [hbm4b:s4+s14], $0x20, s24, s14, $0xb8;
	[tilespmem:$0xDF00] =	vst v63  }
0x97: {  	_ =	swait.ge [sflag:s22], $0x1000  }
0x98: {  	[sflag:s22] =	ssyncset.done $0x0  }
0x99: {  	[sflag:s22] =	ssyncadd.s32 $0xFFFFF000  }
0x9a: {  	[spmem:s2] =	stream.indirect.scatter.add.f32 [tilespmem:s18], [sflag:$0x5], $0x20, s28, s14, $0xb8;
	[tilespmem:$0xDF00] =	vst v63  }
0x9b: {  	_ =	swait.ge [sflag:s12], $0x1000  }
0x9c: {  	[sflag:s12] =	ssyncset.done $0x0  }
0x9d: {  	[sflag:s12] =	ssyncadd.s32 $0xFFFFF000  }
0x9e: {  	[tilespmem:s18], [sflag:$0x3] =	stream.indirect.gather [hbm4b:s4+s14], $0x20, s24, s14, $0xb8;
	[tilespmem:$0xDF00] =	vst v63  }
0x9f: {  	_ =	swait.ge [sflag:s23], $0x1000  }
0xa0: {  	[sflag:s23] =	ssyncset.done $0x0  }
0xa1: {  	[sflag:s23] =	ssyncadd.s32 $0xFFFFF000  }
0xa2: {  	[spmem:s2] =	stream.indirect.scatter.add.f32 [tilespmem:s19], [sflag:$0x5], $0x20, s29, s14, $0xb8;
	[tilespmem:$0xDF00] =	vst v63  }
0xa3: {  	_ =	swait.ge [sflag:s12], $0x1000  }
0xa4: {  	[sflag:s12] =	ssyncset.done $0x0  }
0xa5: {  	[sflag:s12] =	ssyncadd.s32 $0xFFFFF000  }
0xa6: {  	_ =	swait.ge [sflag:s20], $0x1000  }
0xa7: {  	[sflag:s20] =	ssyncset.done $0x0  }
0xa8: {  	[sflag:s20] =	ssyncadd.s32 $0xFFFFF000  }
0xa9: {  	_ =	swait.ge [sflag:s21], $0x1000  }
0xaa: {  	[sflag:s21] =	ssyncset.done $0x0  }
0xab: {  	[sflag:s21] =	ssyncadd.s32 $0xFFFFF000  }
0xac: {  	_ =	swait.ge [sflag:s22], $0x1000  }
0xad: {  	s30 =	sadd.s32 $0x1, s30;
	[sflag:s22] =	ssyncset.done $0x0  }
0xae: {  	p0 =	sne.s32 s30, s10;
	[sflag:s22] =	ssyncadd.s32 $0xFFFFF000  }
.Ltmp1:
0xaf: {  	[bflag:$0x0] =	sbarrier.arrive $0xFFFF;
	(pc) =	sbr.rel @p0 .LBB2_1-.Ltmp1, $4  }
0xb0: {  	[hbm:s9], [sflag:s6] =	dma.local [spmem:s11], $0x9E0  }
0xb1: {  	_ =	swait.ge [sflag:s12], $0x9E0  }
0xb2: {  	[sflag:s12] =	ssyncset.done $0x0  }
0xb3: {  	[sflag:s12] =	ssyncadd.s32 $0xFFFFF620  }
0xb4: {  	_ =	sfence.sel $0x180000  }
0xb5: {  	[bflag:$0x0] =	sbarrier.arrive $0xFFFF  }
0xb6: {  	_ =	strace $0x9000004A  }
0xb7: {  	s0 =	stileid.u32;
	[bflag:$0x2] =	sbarrier.arrive $0xFFFF  }
0xb8: {  	p0 =	sne.s32 s0, $0x0;
	s0 =	rddreg [dreg:$0x3]  }
0xb9: {  	s0 =	sadd.s32 @!p0 $0x100000, s0  }
0xba: {  	[sflag:s0] =	ssyncadd.tile.s32 @!p0 $0x1;
	_ =	shalt  }
.Lfunc_end2:
_tile_overlayer_lowered:
.L_overlay_start_2:
0xbb: {  	(tag) =	ssettag $0x2  }
0xbc: {  	s0 =	rddreg [dreg:$0x0];
	s2 =	stileid.u32  }
0xbd: {  	s1 =	rddreg [dreg:$0x1];
	p0 =	sne.s32 s2, $0x0  }
0xbe: {  	s3 =	rddreg [dreg:$0x2];
	[bflag:$0x3] =	sbarrier.arrive $0xFFFF;
	s2 =	simm.s32 @!p0 $0x1C05  }
0xbf: {  	[timem:s3], [sflag:s2] =	dma.local @!p0 [hbm:s0], s1  }
0xc0: {  	s0 =	simm.s32 @!p0 $0x5  }
0xc1: {  	_ =	swait.ge @!p0 [sflag:s0], s1  }
0xc2: {  	s1 =	ssub.s32 @!p0 $0x0, s1;
	[sflag:s0] =	ssyncset.done @!p0 $0x0  }
0xc3: {  	[sflag:s0] =	ssyncadd.s32 @!p0 s1  }
0xc4: {  	[bflag:$0x3] =	sbarrier.arrive $0xFFFF  }
0xc5: {  	_ =	shalt  }

// kernel: kernel.14.cloned.1.call-start
scs
__scs_entry_jumppad:
0x0: {  	(pc) =	sbr.rel $0x88, $3  }
0x1: {  	(tag) =	ssettag $0x0;
	lr =	simm.s32 $0x1  }
0x2: {  	[smem:$0x3F9B] =	sst lr;
	_ =	strace $0xD0000000  }
0x3: {  	_ = 	snop  }
0x4: {  	_ = 	snop  }
0x5: {  	_ = 	snop  }
0x6: {  	_ = 	snop  }
0x7: {  	_ = 	snop  }
__scs_overlays_trampoline_lowered:
0x8: {  	[smem:$0x3FAA] =	sst s0  }
0x9: {  	[smem:$0x3FAB] =	sst s1  }
0xa: {  	[smem:$0x3FAC] =	sst s2  }
0xb: {  	[smem:$0x3FAD] =	sst s3  }
0xc: {  	[smem:$0x3FAE] =	sst s4  }
0xd: {  	[smem:$0x3FAF] =	sst s5  }
0xe: {  	[smem:$0x3FB0] =	sst s6  }
0xf: {  	[smem:$0x3FB1] =	sst s7  }
0x10: {  	[smem:$0x3FB2] =	sst s8  }
0x11: {  	[smem:$0x3FB3] =	sst s9;
	s0 =	simm.s32 @!p0 $0x0  }
0x12: {  	s1 =	sld [smem:$0x3F99];
	s0 =	simm.s32 @p0 $0x1  }
0x13: {  	[smem:$0x3FB4] =	sst s0;
	s0 =	simm.s32 @!p1 $0x0  }
0x14: {  	s2 =	sld [smem:$0x3F98];
	s0 =	simm.s32 @p1 $0x1  }
0x15: {  	[smem:$0x3FB5] =	sst s0;
	s0 =	simm.s32 @!p2 $0x0  }
0x16: {  	s3 =	sld [smem:$0x3FDB];
	s0 =	simm.s32 @p2 $0x1  }
0x17: {  	s4 =	simm.s32 $0x1BF5;
	[smem:$0x3FB7] =	sst s0  }
0x18: {  	s0 =	sld [smem:$0x3F9A];
	_ =	swait.ge [sflag:s4], $0x0  }
0x19: {  	s7 =	sld [smem:$0x3F9B]  }
0x1a: {  	s8 =	sadd.s32 $0xFFFFE003, lr  }
0x1b: {  	s9 =	sadd.s32 $0xFFFFFEF7, lr;
	s5 =	simm.s32 $0xFFFFFFFF;
	p2 =	slt.u32 s8, $0xFFFFF086  }
0x1c: {  	p1 =	slt.u32 s9, $0xF7A;
	s5 =	simm.s32 @!p2 $0x0  }
0x1d: {  	s5 =	simm.s32 @p1 $0x1;
	p0 =	seq.s32 s7, s2  }
0x1e: {  	s7 =	smul.u32 @!p0 $0xF7A, s2;
	p2 =	seq.s32 @!p0 s5, $0x0  }
0x1f: {  	s9 =	smul.u32 $0xF7A, s1;
	s8 =	simm.s32 @!p0 $0x1BF5;
	p2 =	por !p2, p0  }
0x20: {  	[sflag:s8] =	ssyncset.s32 @!p0 $0xFFFFF086;
	s6 =	sadd.s32 @!p0 s3, s7;
	s7 =	simm.s32 @!p0 $0x108  }
0x21: {  	s3 =	sadd.s32 s3, s9;
	s6 =	sadd.s32 @!p0 $0x88, s6;
	s7 =	simm.s32 @p2 $0x1082  }
0x22: {  	[simem:s7], [sflag:s8] =	dma.local @!p0 [hbm:s6], $0xF7A  }
0x23: {  	s9 =	sor.u32 $0xD0000000, s2;
	s6 =	simm.s32 $0x108;
	_ =	swait.ge @!p0 [sflag:s8], $0x0  }
0x24: {  	s3 =	sadd.s32 $0x88, s3;
	s6 =	simm.s32 @!p1 $0x1082;
	[sflag:s4] =	ssyncset.s32 $0xFFFFF086  }
0x25: {  	[simem:s6], [sflag:s4] =	dma.local [hbm:s3], $0xF7A  }
0x26: {  	[smem:$0x3F9B] =	sst s1;
	(tag) =	ssettag s2;
	_ =	strace s9  }
0x27: {  	s1 =	sld [smem:$0x3FAB]  }
0x28: {  	s2 =	sld [smem:$0x3FAC]  }
0x29: {  	s4 =	sld [smem:$0x3FAE]  }
0x2a: {  	p0 =	seq.s32 s5, $0x0;
	s5 =	sld [smem:$0x3FAF]  }
0x2b: {  	s6 =	sld [smem:$0x3FB0]  }
0x2c: {  	s7 =	sld [smem:$0x3FB1]  }
0x2d: {  	s3 =	simm.s32 $0x108;
	s8 =	sld [smem:$0x3FB2]  }
0x2e: {  	s3 =	simm.s32 @!p0 $0x1082;
	s9 =	sld [smem:$0x3FB3]  }
0x2f: {  	lr =	sadd.s32 s0, s3;
	s0 =	sld [smem:$0x3FAA]  }
0x30: {  	s3 =	sld [smem:$0x3FAD]  }
0x31: {  	[smem:$0x3FB6] =	sst s10  }
0x32: {  	s10 =	sld [smem:$0x3FB4];
	_ =	sdelay $0x3  }
0x33: {  	p0 =	seq.s32 s10, $0x1;
	s10 =	sld [smem:$0x3FB6];
	_ =	sdelay $0x3  }
0x34: {  	[smem:$0x3FB6] =	sst s10  }
0x35: {  	s10 =	sld [smem:$0x3FB5];
	_ =	sdelay $0x3  }
0x36: {  	p1 =	seq.s32 s10, $0x1;
	s10 =	sld [smem:$0x3FB6];
	_ =	sdelay $0x3  }
0x37: {  	[smem:$0x3FB6] =	sst s10  }
0x38: {  	s10 =	sld [smem:$0x3FB7]  }
0x39: {  	_ = 	snop;
	(pc) =	sbr.ind lr, $3  }
0x3a: {  	_ = 	snop  }
0x3b: {  	_ = 	snop  }
0x3c: {  	p2 =	seq.s32 s10, $0x1;
	s10 =	sld [smem:$0x3FB6]  }
0x3d: {  	_ =	shalt  }
0x3e: {  	_ =	shalt  }
0x3f: {  	_ =	shalt  }
0x40: {  	_ =	shalt  }
0x41: {  	_ =	shalt  }
0x42: {  	_ =	shalt  }
0x43: {  	_ =	shalt  }
0x44: {  	_ =	shalt  }
0x45: {  	_ =	shalt  }
0x46: {  	_ =	shalt  }
0x47: {  	_ =	shalt  }
0x48: {  	_ =	shalt  }
0x49: {  	_ =	shalt  }
0x4a: {  	_ =	shalt  }
0x4b: {  	_ =	shalt  }
0x4c: {  	_ =	shalt  }
0x4d: {  	_ =	shalt  }
0x4e: {  	_ =	shalt  }
0x4f: {  	_ =	shalt  }
0x50: {  	_ =	shalt  }
0x51: {  	_ =	shalt  }
0x52: {  	_ =	shalt  }
0x53: {  	_ =	shalt  }
0x54: {  	_ =	shalt  }
0x55: {  	_ =	shalt  }
0x56: {  	_ =	shalt  }
0x57: {  	_ =	shalt  }
0x58: {  	_ =	shalt  }
0x59: {  	_ =	shalt  }
0x5a: {  	_ =	shalt  }
0x5b: {  	_ =	shalt  }
0x5c: {  	_ =	shalt  }
0x5d: {  	_ =	shalt  }
0x5e: {  	_ =	shalt  }
0x5f: {  	_ =	shalt  }
0x60: {  	_ =	shalt  }
0x61: {  	_ =	shalt  }
0x62: {  	_ =	shalt  }
0x63: {  	_ =	shalt  }
0x64: {  	_ =	shalt  }
0x65: {  	_ =	shalt  }
0x66: {  	_ =	shalt  }
0x67: {  	_ =	shalt  }
0x68: {  	_ =	shalt  }
0x69: {  	_ =	shalt  }
0x6a: {  	_ =	shalt  }
0x6b: {  	_ =	shalt  }
0x6c: {  	_ =	shalt  }
0x6d: {  	_ =	shalt  }
0x6e: {  	_ =	shalt  }
0x6f: {  	_ =	shalt  }
0x70: {  	_ =	shalt  }
0x71: {  	_ =	shalt  }
0x72: {  	_ =	shalt  }
0x73: {  	_ =	shalt  }
0x74: {  	_ =	shalt  }
0x75: {  	_ =	shalt  }
0x76: {  	_ =	shalt  }
0x77: {  	_ =	shalt  }
0x78: {  	_ =	shalt  }
0x79: {  	_ =	shalt  }
0x7a: {  	_ =	shalt  }
0x7b: {  	_ =	shalt  }
0x7c: {  	_ =	shalt  }
0x7d: {  	_ =	shalt  }
0x7e: {  	_ =	shalt  }
0x7f: {  	_ =	shalt  }
0x80: {  	_ =	shalt  }
0x81: {  	_ =	shalt  }
0x82: {  	_ =	shalt  }
0x83: {  	_ =	shalt  }
0x84: {  	_ =	shalt  }
0x85: {  	_ =	shalt  }
0x86: {  	_ =	shalt  }
0x87: {  	_ =	shalt  }
.Lfunc_end0:
.L_simem_size_0:
called_computation.2_lowered:
.L_overlay_start_0:
0x88: {  	s2 =	sld [smem:$0x3FD9]  }
0x89: {  	s3 =	sld [smem:$0x3FFE];
	_ =	sdelay $0x1  }
0x8a: {  	s1 =	srdreg.scid  }
0x8b: {  	s0 =	sand.u32 $0x1, s1  }
0x8c: {  	s17 =	sshll.u32 s0, $0xA;
	s2 =	sadd.s32 s3, s2  }
0x8d: {  	s2 =	sadd.s32 s2, s17  }
0x8e: {  	[smem:$0x3FC2] =	sst s2  }
0x8f: {  	_ = 	snop  }
0x90: {  	s2 =	sld [smem:$0x3FD0];
	(tm) =	ssettm $0x1  }
0x91: {  	s18 =	sld [smem:$0x3FFB];
	_ =	sdelay $0x3  }
0x92: {  	_ =	strace s18  }
0x93: {  	s3 =	sld [smem:$0x3FFC];
	_ =	sdelay $0x3  }
0x94: {  	_ =	strace s3  }
0x95: {  	s3 =	sld [smem:$0x3FFD];
	_ =	sdelay $0x3  }
0x96: {  	_ =	strace s3  }
0x97: {  	_ =	strace $0x8FFFFFFF  }
0x98: {  	s19 =	sld [smem:$0x3FDB];
	_ =	sdelay $0x1  }
0x99: {  	s4 =	simm.s32 $_scs_section_size  }
0x9a: {  	s5 =	simm.s32 $_size__tile_overlayer_lowered;
	s6 =	simm.s32 $_tile_overlayer_lowered  }
0x9b: {  	s22 =	simm.s32 $0x1BFF;
	s21 =	sshll.u32 s6, $0x1;
	s3 =	sadd.s32 s4, s19  }
0x9c: {  	s7 =	simm.s32 $0x0;
	s20 =	sshll.u32 s5, $0x1;
	s5 =	sadd.s32 s21, s3  }
0x9d: {  	[timem:s7], [sflag:s22] =	dma.local [hbm:s5], s20  }
0x9e: {  	_ =	swait.ge [sflag:s22], s20  }
0x9f: {  	s4 =	ssub.s32 $0x0, s20;
	[sflag:s22] =	ssyncset.done $0x0  }
0xa0: {  	[sflag:s22] =	ssyncadd.s32 s4;
	_ =	sdelay $0x1  }
0xa1: {  	s23 =	simm.s32 $0x1B8B  }
0xa2: {  	_ =	swait.ge [sflag:s23], $0x1  }
0xa3: {  	[sflag:s23] =	ssyncset.done $0x0  }
0xa4: {  	s25 =	simm.s32 $0x1B8E;
	s24 =	sld [smem:$0x3FFE];
	[sflag:s23] =	ssyncadd.s32 $0xFFFFFFFF  }
0xa5: {  	s26 =	simm.s32 $execute0_lowered;
	[smem:$0x3FD2] =	sst s25  }
0xa6: {  	s5 =	sshll.u32 s26, $0x1;
	_ =	strace $0x8000004C;
	[dreg:$0x1] =	wrdreg $0xFFFFFFFF  }
0xa7: {  	s28 =	simm.s32 $_size_execute0_lowered;
	s3 =	sadd.s32 s3, s5;
	[dreg:$0x0] =	wrdreg $0x0  }
0xa8: {  	s5 =	sshll.u32 s28, $0x1;
	[dreg:$0x2] =	wrdreg s3  }
0xa9: {  	[dreg:$0x3] =	wrdreg s5  }
0xaa: {  	[dreg:$0x4] =	wrdreg $0xC0  }
0xab: {  	_ =	task [dreg:s7], $0x5FFFF  }
0xac: {  	[dreg:$0x1] =	wrdreg $0xFFFFFFFF  }
0xad: {  	[dreg:$0x0] =	wrdreg $0x60  }
0xae: {  	[dreg:$0x2] =	wrdreg s24  }
0xaf: {  	[dreg:$0x3] =	wrdreg s2  }
0xb0: {  	[dreg:$0x4] =	wrdreg $0xA0000  }
0xb1: {  	[dreg:$0x5] =	wrdreg $0x9  }
0xb2: {  	_ =	task.clear_ibuf [dreg:s7], $0x6FFFF;
	_ =	strace $0x9000004C  }
0xb3: {  	s29 =	simm.s32 $0x9;
	_ =	strace $0x8000004E  }
0xb4: {  	_ =	swait.ge [sflag:s29], $0x1  }
0xb5: {  	[sflag:s29] =	ssyncadd.s32 $0xFFFFFFFF  }
0xb6: {  	_ =	strace $0x9000004E  }
0xb7: {  	_ =	sfence  }
0xb8: {  	s30 =	sld [smem:$0x0];
	_ =	sdelay $0x2  }
0xb9: {  	s31 =	sshll.u32 s1, $0xD;
	s1 =	sshrl.u32 s1, $0x2  }
0xba: {  	s3 =	sand.u32 $0x4000, s31;
	s1 =	sadd.s32 s1, s30  }
0xbb: {  	s0 =	sor.u32 s3, s0;
	s1 =	sshll.u32 s1, $0x11  }
0xbc: {  	s0 =	sor.u32 s1, s0  }
0xbd: {  	s0 =	sadd.s32 $0x8F2B, s0  }
0xbe: {  	[sflag:s0] =	ssyncadd.remote.s32 $0x1  }
0xbf: {  	_ =	sfence.sel $0xFFFF  }
0xc0: {  	[dreg:$0x0] =	wrdreg $0xFFFFFFFF;
	(pc) =	sbr.abs _section_cstart, $3  }
0xc1: {  	[dreg:$0x1] =	wrdreg $0xFFFFFFFF  }
0xc2: {  	_ =	task.clear_ibuf [dreg:s7], $0x2FFFF;
	_ =	strace $0x9FFFFFFF  }
0xc3: {  	(tm) =	ssettm $0x7FFFFFFF  }
tec
execute0_lowered:
.L_overlay_start_1:
0x0: {  	(tag) =	ssettag $0x1  }
0x1: {  	s1 =	rddreg [dreg:$0x0]  }
0x2: {  	s0 =	srdreg.scid;
	s5 =	rddreg [dreg:$0x1]  }
0x3: {  	s10 =	stileid.u32;
	s2 =	rddreg [dreg:$0x2];
	s12 =	simm.s32 $0x5  }
0x4: {  	s14 =	simm.s32 $0x80;
	s15 =	simm.s32 $0x5000;
	s16 =	simm.s32 $0x6400  }
0x5: {  	s18 =	simm.s32 $0x7800;
	s19 =	simm.s32 $0x8C00;
	s20 =	simm.s32 $0x1  }
0x6: {  	s21 =	simm.s32 $0x2;
	s22 =	simm.s32 $0x3;
	s23 =	simm.s32 $0x4  }
0x7: {  	s24 =	simm.s32 $0x2780;
	s28 =	simm.s32 $0x4F00;
	s29 =	simm.s32 $0x4F80  }
0x8: {  	s30 =	simm.s32 $0x0;
	s0 =	sand.u32 $0x1, s0;
	s6 =	smul.u32 $0xC58, s10  }
0x9: {  	s9 =	smul.u32 $0x62C0, s10;
	s31 =	sshll.u32 s10, $0x6;
	s3 =	sshll.u32 s0, $0x4  }
0xa: {  	s7 =	smul.u32 $0xC580, s0;
	s0 =	ssub.s32 $0x2, s0;
	s4 =	sor.u32 s10, s3  }
0xb: {  	s3 =	simm.s32 $0x0;
	s25 =	sshrl.u32 s0, $0x1;
	s26 =	sshrl.u32 s9, $0x3  }
0xc: {  	s11 =	sadd.s32 s9, s2;
	s4 =	smul.u32 $0x500, s4;
	[smem:$0x7FF] =	sst s3  }
0xd: {  	s6 =	sadd.s32 s6, s7;
	s0 =	ssub.s32 s0, s25;
	s5 =	sadd.s32 s5, s26  }
0xe: {  	s11 =	sshrl.u32 s11, $0x3;
	s25 =	simm.s32 $0x4E00;
	s26 =	simm.s32 $0x4E80  }
0xf: {  	_ =	strace $0x8000004D;
	s10 =	smax.u32 s0, $0x1;
	s8 =	sadd.s32 s4, s1  }
0x10: {  	s4 =	sadd.s32 $0x1AC00, s1;
	s1 =	sadd.s32 s6, s1;
	s6 =	sor.u32 $0x1C05, s31  }
0x11: {  	s7 =	sadd.s32 $0x10C00, s8;
	s8 =	sadd.s32 $0x1600, s8;
	s9 =	sadd.s32 $0x27000, s1  }
.LBB2_1:
0x12: {  	[spmem:s11], [sflag:s6] =	dma.local [hbm:s5], $0xC58  }
0x13: {  	_ =	swait.ge [sflag:s12], $0xC58  }
0x14: {  	[sflag:s12] =	ssyncset.done $0x0  }
0x15: {  	[sflag:s12] =	ssyncadd.s32 $0xFFFFF3A8  }
0x16: {  	[tilespmem:s3], [sflag:$0x5] =	stream.linear.gather [hbm4b:s7+s3], $0x2800, $0x38;
	[tilespmem:$0x102C0] =	vst v63  }
0x17: {  	_ =	swait.ge [sflag:s12], $0x2800  }
0x18: {  	[sflag:s12] =	ssyncset.done $0x0  }
0x19: {  	s0 =	simm.s32 $0x2800;
	[sflag:s12] =	ssyncadd.s32 $0xFFFFD800  }
0x1a: {  	[tilespmem:s0], [sflag:$0x5] =	stream.linear.gather [hbm4b:s8+s3], $0x2800, $0x38;
	[tilespmem:$0x102C0] =	vst v63  }
0x1b: {  	_ =	swait.ge [sflag:s12], $0x2800  }
0x1c: {  	[sflag:s12] =	ssyncset.done $0x0  }
0x1d: {  	[sflag:s12] =	ssyncadd.s32 $0xFFFFD800  }
0x1e: {  	[bflag:$0x0] =	sbarrier.arrive $0xFFFF  }
0x1f: {  	[tilespmem:s15], [sflag:$0x1] =	stream.indirect.gather [hbm4b:s4+s14], $0x28, s3, s14, $0xb8;
	[tilespmem:$0x102C0] =	vst v63  }
0x20: {  	_ = 	snop  }
0x21: {  	[tilespmem:s16], [sflag:$0x2] =	stream.indirect.gather [hbm4b:s4+s14], $0x28, s14, s14, $0xb8;
	[tilespmem:$0x102C0] =	vst v63  }
0x22: {  	s1 =	simm.s32 $0x100  }
0x23: {  	[tilespmem:s18], [sflag:$0x3] =	stream.indirect.gather [hbm4b:s4+s14], $0x28, s1, s14, $0xb8;
	[tilespmem:$0x102C0] =	vst v63  }
0x24: {  	s13 =	simm.s32 $0x180  }
0x25: {  	[tilespmem:s19], [sflag:$0x4] =	stream.indirect.gather [hbm4b:s4+s14], $0x28, s13, s14, $0xb8;
	[tilespmem:$0x102C0] =	vst v63  }
0x26: {  	_ =	swait.ge [sflag:s20], $0x1400  }
0x27: {  	[sflag:s20] =	ssyncset.done $0x0  }
0x28: {  	s17 =	simm.s32 $0x2800;
	[sflag:s20] =	ssyncadd.s32 $0xFFFFEC00  }
0x29: {  	[spmem:s2] =	stream.indirect.scatter.add.f32 [tilespmem:s15], [sflag:$0x5], $0x28, s17, s14, $0xb8;
	[tilespmem:$0x102C0] =	vst v63  }
0x2a: {  	_ =	swait.ge [sflag:s12], $0x1400  }
0x2b: {  	[sflag:s12] =	ssyncset.done $0x0  }
0x2c: {  	s1 =	simm.s32 $0x200;
	[sflag:s12] =	ssyncadd.s32 $0xFFFFEC00  }
0x2d: {  	[tilespmem:s15], [sflag:$0x1] =	stream.indirect.gather [hbm4b:s4+s14], $0x28, s1, s14, $0xb8;
	[tilespmem:$0x102C0] =	vst v63  }
0x2e: {  	_ =	swait.ge [sflag:s21], $0x1400  }
0x2f: {  	[sflag:s21] =	ssyncset.done $0x0  }
0x30: {  	s13 =	simm.s32 $0x2880;
	[sflag:s21] =	ssyncadd.s32 $0xFFFFEC00  }
0x31: {  	[spmem:s2] =	stream.indirect.scatter.add.f32 [tilespmem:s16], [sflag:$0x5], $0x28, s13, s14, $0xb8;
	[tilespmem:$0x102C0] =	vst v63  }
0x32: {  	_ =	swait.ge [sflag:s12], $0x1400  }
0x33: {  	[sflag:s12] =	ssyncset.done $0x0  }
0x34: {  	s17 =	simm.s32 $0x280;
	[sflag:s12] =	ssyncadd.s32 $0xFFFFEC00  }
0x35: {  	[tilespmem:s16], [sflag:$0x2] =	stream.indirect.gather [hbm4b:s4+s14], $0x28, s17, s14, $0xb8;
	[tilespmem:$0x102C0] =	vst v63  }
0x36: {  	_ =	swait.ge [sflag:s22], $0x1400  }
0x37: {  	[sflag:s22] =	ssyncset.done $0x0  }
0x38: {  	s1 =	simm.s32 $0x2900;
	[sflag:s22] =	ssyncadd.s32 $0xFFFFEC00  }
0x39: {  	[spmem:s2] =	stream.indirect.scatter.add.f32 [tilespmem:s18], [sflag:$0x5], $0x28, s1, s14, $0xb8;
	[tilespmem:$0x102C0] =	vst v63  }
0x3a: {  	_ =	swait.ge [sflag:s12], $0x1400  }
0x3b: {  	[sflag:s12] =	ssyncset.done $0x0  }
0x3c: {  	s13 =	simm.s32 $0x300;
	[sflag:s12] =	ssyncadd.s32 $0xFFFFEC00  }
0x3d: {  	[tilespmem:s18], [sflag:$0x3] =	stream.indirect.gather [hbm4b:s4+s14], $0x28, s13, s14, $0xb8;
	[tilespmem:$0x102C0] =	vst v63  }
0x3e: {  	_ =	swait.ge [sflag:s23], $0x1400  }
0x3f: {  	[sflag:s23] =	ssyncset.done $0x0  }
0x40: {  	s17 =	simm.s32 $0x2980;
	[sflag:s23] =	ssyncadd.s32 $0xFFFFEC00  }
0x41: {  	[spmem:s2] =	stream.indirect.scatter.add.f32 [tilespmem:s19], [sflag:$0x5], $0x28, s17, s14, $0xb8;
	[tilespmem:$0x102C0] =	vst v63  }
0x42: {  	_ =	swait.ge [sflag:s12], $0x1400  }
0x43: {  	s31 =	simm.s32 $0x200;
	s1 =	simm.s32 $0x1000;
	[sflag:s12] =	ssyncset.done $0x0  }
.LBB2_2:
0x44: {  	s17 =	sadd.s32 $0x180, s31  }
0x45: {  	[sflag:s12] =	ssyncadd.s32 $0xFFFFEC00;
	s0 =	smov.u32 s1;
	s13 =	sadd.s32 $0x800, s1  }
0x46: {  	[tilespmem:s19], [sflag:$0x4] =	stream.indirect.gather [hbm4b:s4+s14], $0x28, s17, s14, $0xb8;
	[tilespmem:$0x102C0] =	vst v63  }
0x47: {  	p0 =	sne.s32 s1, $0x9000;
	_ =	swait.ge [sflag:s20], $0x1400  }
0x48: {  	[sflag:s20] =	ssyncset.done $0x0  }
0x49: {  	s1 =	sadd.s32 $0x2800, s31;
	[sflag:s20] =	ssyncadd.s32 $0xFFFFEC00  }
0x4a: {  	[spmem:s2] =	stream.indirect.scatter.add.f32 [tilespmem:s15], [sflag:$0x5], $0x28, s1, s14, $0xb8;
	[tilespmem:$0x102C0] =	vst v63  }
0x4b: {  	_ =	swait.ge [sflag:s12], $0x1400  }
0x4c: {  	[sflag:s12] =	ssyncset.done $0x0  }
0x4d: {  	s1 =	sadd.s32 $0x200, s31;
	[sflag:s12] =	ssyncadd.s32 $0xFFFFEC00  }
0x4e: {  	[tilespmem:s15], [sflag:$0x1] =	stream.indirect.gather [hbm4b:s4+s14], $0x28, s1, s14, $0xb8;
	[tilespmem:$0x102C0] =	vst v63  }
0x4f: {  	_ =	swait.ge [sflag:s21], $0x1400  }
0x50: {  	[sflag:s21] =	ssyncset.done $0x0  }
0x51: {  	s1 =	sadd.s32 $0x2880, s31;
	[sflag:s21] =	ssyncadd.s32 $0xFFFFEC00  }
0x52: {  	[spmem:s2] =	stream.indirect.scatter.add.f32 [tilespmem:s16], [sflag:$0x5], $0x28, s1, s14, $0xb8;
	[tilespmem:$0x102C0] =	vst v63  }
0x53: {  	_ =	swait.ge [sflag:s12], $0x1400  }
0x54: {  	[sflag:s12] =	ssyncset.done $0x0  }
0x55: {  	s1 =	sadd.s32 $0x280, s31;
	[sflag:s12] =	ssyncadd.s32 $0xFFFFEC00  }
0x56: {  	[tilespmem:s16], [sflag:$0x2] =	stream.indirect.gather [hbm4b:s4+s14], $0x28, s1, s14, $0xb8;
	[tilespmem:$0x102C0] =	vst v63  }
0x57: {  	_ =	swait.ge [sflag:s22], $0x1400  }
0x58: {  	[sflag:s22] =	ssyncset.done $0x0  }
0x59: {  	s1 =	sadd.s32 $0x2900, s31;
	[sflag:s22] =	ssyncadd.s32 $0xFFFFEC00  }
0x5a: {  	[spmem:s2] =	stream.indirect.scatter.add.f32 [tilespmem:s18], [sflag:$0x5], $0x28, s1, s14, $0xb8;
	[tilespmem:$0x102C0] =	vst v63  }
0x5b: {  	_ =	swait.ge [sflag:s12], $0x1400  }
0x5c: {  	[sflag:s12] =	ssyncset.done $0x0  }
0x5d: {  	s1 =	sadd.s32 $0x300, s31;
	[sflag:s12] =	ssyncadd.s32 $0xFFFFEC00  }
0x5e: {  	[tilespmem:s18], [sflag:$0x3] =	stream.indirect.gather [hbm4b:s4+s14], $0x28, s1, s14, $0xb8;
	[tilespmem:$0x102C0] =	vst v63  }
0x5f: {  	_ =	swait.ge [sflag:s23], $0x1400  }
.Ltmp0:
0x60: {  	[sflag:s23] =	ssyncset.done $0x0;
	(pc) =	sbr.rel @p0 .LBB2_2-.Ltmp0, $4  }
0x61: {  	s1 =	sadd.s32 $0x2980, s31;
	[sflag:s23] =	ssyncadd.s32 $0xFFFFEC00  }
0x62: {  	[spmem:s2] =	stream.indirect.scatter.add.f32 [tilespmem:s19], [sflag:$0x5], $0x28, s1, s14, $0xb8;
	[tilespmem:$0x102C0] =	vst v63  }
0x63: {  	_ =	swait.ge [sflag:s12], $0x1400  }
0x64: {  	s31 =	sshra.s32 s0, $0x2;
	s1 =	smov.u32 s13;
	[sflag:s12] =	ssyncset.done $0x0  }
0x65: {  	s0 =	sadd.s32 $0x180, s31;
	[sflag:s12] =	ssyncadd.s32 $0xFFFFEC00  }
0x66: {  	[tilespmem:s19], [sflag:$0x4] =	stream.indirect.gather [hbm4b:s4+s14], $0x28, s0, s14, $0xb8;
	[tilespmem:$0x102C0] =	vst v63  }
0x67: {  	_ =	swait.ge [sflag:s20], $0x1400  }
0x68: {  	[sflag:s20] =	ssyncset.done $0x0  }
0x69: {  	s1 =	sadd.s32 $0x2800, s31;
	[sflag:s20] =	ssyncadd.s32 $0xFFFFEC00  }
0x6a: {  	[spmem:s2] =	stream.indirect.scatter.add.f32 [tilespmem:s15], [sflag:$0x5], $0x28, s1, s14, $0xb8;
	[tilespmem:$0x102C0] =	vst v63  }
0x6b: {  	_ =	swait.ge [sflag:s12], $0x1400  }
0x6c: {  	[sflag:s12] =	ssyncset.done $0x0  }
0x6d: {  	s13 =	sadd.s32 $0x200, s31;
	[sflag:s12] =	ssyncadd.s32 $0xFFFFEC00  }
0x6e: {  	[tilespmem:s15], [sflag:$0x1] =	stream.indirect.gather [hbm4b:s4+s14], $0x28, s13, s14, $0xb8;
	[tilespmem:$0x102C0] =	vst v63  }
0x6f: {  	_ =	swait.ge [sflag:s21], $0x1400  }
0x70: {  	[sflag:s21] =	ssyncset.done $0x0  }
0x71: {  	s17 =	sadd.s32 $0x2880, s31;
	[sflag:s21] =	ssyncadd.s32 $0xFFFFEC00  }
0x72: {  	[spmem:s2] =	stream.indirect.scatter.add.f32 [tilespmem:s16], [sflag:$0x5], $0x28, s17, s14, $0xb8;
	[tilespmem:$0x102C0] =	vst v63  }
0x73: {  	_ =	swait.ge [sflag:s12], $0x1400  }
0x74: {  	[sflag:s12] =	ssyncset.done $0x0  }
0x75: {  	s1 =	sadd.s32 $0x280, s31;
	[sflag:s12] =	ssyncadd.s32 $0xFFFFEC00  }
0x76: {  	[tilespmem:s16], [sflag:$0x2] =	stream.indirect.gather [hbm4b:s4+s14], $0x28, s1, s14, $0xb8;
	[tilespmem:$0x102C0] =	vst v63  }
0x77: {  	_ =	swait.ge [sflag:s22], $0x1400  }
0x78: {  	[sflag:s22] =	ssyncset.done $0x0  }
0x79: {  	s13 =	sadd.s32 $0x2900, s31;
	[sflag:s22] =	ssyncadd.s32 $0xFFFFEC00  }
0x7a: {  	[spmem:s2] =	stream.indirect.scatter.add.f32 [tilespmem:s18], [sflag:$0x5], $0x28, s13, s14, $0xb8;
	[tilespmem:$0x102C0] =	vst v63  }
0x7b: {  	_ =	swait.ge [sflag:s12], $0x1400  }
0x7c: {  	[sflag:s12] =	ssyncset.done $0x0  }
0x7d: {  	s17 =	sadd.s32 $0x300, s31;
	[sflag:s12] =	ssyncadd.s32 $0xFFFFEC00  }
0x7e: {  	[tilespmem:s18], [sflag:$0x3] =	stream.indirect.gather [hbm4b:s4+s14], $0x28, s17, s14, $0xb8;
	[tilespmem:$0x102C0] =	vst v63  }
0x7f: {  	_ =	swait.ge [sflag:s23], $0x1400  }
0x80: {  	[sflag:s23] =	ssyncset.done $0x0  }
0x81: {  	s31 =	sadd.s32 $0x2980, s31;
	[sflag:s23] =	ssyncadd.s32 $0xFFFFEC00  }
0x82: {  	[spmem:s2] =	stream.indirect.scatter.add.f32 [tilespmem:s19], [sflag:$0x5], $0x28, s31, s14, $0xb8;
	[tilespmem:$0x102C0] =	vst v63  }
0x83: {  	_ =	swait.ge [sflag:s12], $0x1400  }
0x84: {  	[sflag:s12] =	ssyncset.done $0x0  }
0x85: {  	[sflag:s12] =	ssyncadd.s32 $0xFFFFEC00  }
0x86: {  	[tilespmem:s19], [sflag:$0x4] =	stream.indirect.gather [hbm4b:s4+s14], $0x28, s24, s14, $0xb8;
	[tilespmem:$0x102C0] =	vst v63  }
0x87: {  	_ =	swait.ge [sflag:s20], $0x1400  }
0x88: {  	[sflag:s20] =	ssyncset.done $0x0  }
0x89: {  	[sflag:s20] =	ssyncadd.s32 $0xFFFFEC00  }
0x8a: {  	[spmem:s2] =	stream.indirect.scatter.add.f32 [tilespmem:s15], [sflag:$0x5], $0x28, s25, s14, $0xb8;
	[tilespmem:$0x102C0] =	vst v63  }
0x8b: {  	_ =	swait.ge [sflag:s12], $0x1400  }
0x8c: {  	[sflag:s12] =	ssyncset.done $0x0  }
0x8d: {  	[sflag:s12] =	ssyncadd.s32 $0xFFFFEC00  }
0x8e: {  	[tilespmem:s15], [sflag:$0x1] =	stream.indirect.gather [hbm4b:s4+s14], $0x28, s24, s14, $0xb8;
	[tilespmem:$0x102C0] =	vst v63  }
0x8f: {  	_ =	swait.ge [sflag:s21], $0x1400  }
0x90: {  	[sflag:s21] =	ssyncset.done $0x0  }
0x91: {  	[sflag:s21] =	ssyncadd.s32 $0xFFFFEC00  }
0x92: {  	[spmem:s2] =	stream.indirect.scatter.add.f32 [tilespmem:s16], [sflag:$0x5], $0x28, s26, s14, $0xb8;
	[tilespmem:$0x102C0] =	vst v63  }
0x93: {  	_ =	swait.ge [sflag:s12], $0x1400  }
0x94: {  	[sflag:s12] =	ssyncset.done $0x0  }
0x95: {  	[sflag:s12] =	ssyncadd.s32 $0xFFFFEC00  }
0x96: {  	[tilespmem:s16], [sflag:$0x2] =	stream.indirect.gather [hbm4b:s4+s14], $0x28, s24, s14, $0xb8;
	[tilespmem:$0x102C0] =	vst v63  }
0x97: {  	_ =	swait.ge [sflag:s22], $0x1400  }
0x98: {  	[sflag:s22] =	ssyncset.done $0x0  }
0x99: {  	[sflag:s22] =	ssyncadd.s32 $0xFFFFEC00  }
0x9a: {  	[spmem:s2] =	stream.indirect.scatter.add.f32 [tilespmem:s18], [sflag:$0x5], $0x28, s28, s14, $0xb8;
	[tilespmem:$0x102C0] =	vst v63  }
0x9b: {  	_ =	swait.ge [sflag:s12], $0x1400  }
0x9c: {  	[sflag:s12] =	ssyncset.done $0x0  }
0x9d: {  	[sflag:s12] =	ssyncadd.s32 $0xFFFFEC00  }
0x9e: {  	[tilespmem:s18], [sflag:$0x3] =	stream.indirect.gather [hbm4b:s4+s14], $0x28, s24, s14, $0xb8;
	[tilespmem:$0x102C0] =	vst v63  }
0x9f: {  	_ =	swait.ge [sflag:s23], $0x1400  }
0xa0: {  	[sflag:s23] =	ssyncset.done $0x0  }
0xa1: {  	[sflag:s23] =	ssyncadd.s32 $0xFFFFEC00  }
0xa2: {  	[spmem:s2] =	stream.indirect.scatter.add.f32 [tilespmem:s19], [sflag:$0x5], $0x28, s29, s14, $0xb8;
	[tilespmem:$0x102C0] =	vst v63  }
0xa3: {  	_ =	swait.ge [sflag:s12], $0x1400  }
0xa4: {  	[sflag:s12] =	ssyncset.done $0x0  }
0xa5: {  	[sflag:s12] =	ssyncadd.s32 $0xFFFFEC00  }
0xa6: {  	_ =	swait.ge [sflag:s20], $0x1400  }
0xa7: {  	[sflag:s20] =	ssyncset.done $0x0  }
0xa8: {  	[sflag:s20] =	ssyncadd.s32 $0xFFFFEC00  }
0xa9: {  	_ =	swait.ge [sflag:s21], $0x1400  }
0xaa: {  	[sflag:s21] =	ssyncset.done $0x0  }
0xab: {  	[sflag:s21] =	ssyncadd.s32 $0xFFFFEC00  }
0xac: {  	_ =	swait.ge [sflag:s22], $0x1400  }
0xad: {  	s30 =	sadd.s32 $0x1, s30;
	[sflag:s22] =	ssyncset.done $0x0  }
0xae: {  	p0 =	sne.s32 s30, s10;
	[sflag:s22] =	ssyncadd.s32 $0xFFFFEC00  }
.Ltmp1:
0xaf: {  	[bflag:$0x0] =	sbarrier.arrive $0xFFFF;
	(pc) =	sbr.rel @p0 .LBB2_1-.Ltmp1, $4  }
0xb0: {  	[hbm:s9], [sflag:s6] =	dma.local [spmem:s11], $0xC58  }
0xb1: {  	_ =	swait.ge [sflag:s12], $0xC58  }
0xb2: {  	[sflag:s12] =	ssyncset.done $0x0  }
0xb3: {  	[sflag:s12] =	ssyncadd.s32 $0xFFFFF3A8  }
0xb4: {  	_ =	sfence.sel $0x180000  }
0xb5: {  	[bflag:$0x0] =	sbarrier.arrive $0xFFFF  }
0xb6: {  	_ =	strace $0x9000004D  }
0xb7: {  	s0 =	stileid.u32;
	[bflag:$0x2] =	sbarrier.arrive $0xFFFF  }
0xb8: {  	p0 =	sne.s32 s0, $0x0;
	s0 =	rddreg [dreg:$0x3]  }
0xb9: {  	s0 =	sadd.s32 @!p0 $0x100000, s0  }
0xba: {  	[sflag:s0] =	ssyncadd.tile.s32 @!p0 $0x1;
	_ =	shalt  }
.Lfunc_end2:
_tile_overlayer_lowered:
.L_overlay_start_2:
0xbb: {  	(tag) =	ssettag $0x2  }
0xbc: {  	s0 =	rddreg [dreg:$0x0];
	s2 =	stileid.u32  }
0xbd: {  	s1 =	rddreg [dreg:$0x1];
	p0 =	sne.s32 s2, $0x0  }
0xbe: {  	s3 =	rddreg [dreg:$0x2];
	[bflag:$0x3] =	sbarrier.arrive $0xFFFF;
	s2 =	simm.s32 @!p0 $0x1C05  }
0xbf: {  	[timem:s3], [sflag:s2] =	dma.local @!p0 [hbm:s0], s1  }
0xc0: {  	s0 =	simm.s32 @!p0 $0x5  }
0xc1: {  	_ =	swait.ge @!p0 [sflag:s0], s1  }
0xc2: {  	s1 =	ssub.s32 @!p0 $0x0, s1;
	[sflag:s0] =	ssyncset.done @!p0 $0x0  }
0xc3: {  	[sflag:s0] =	ssyncadd.s32 @!p0 s1  }
0xc4: {  	[bflag:$0x3] =	sbarrier.arrive $0xFFFF  }
0xc5: {  	_ =	shalt  }

// kernel: kernel.8.cloned.1.call-start
scs
__scs_entry_jumppad:
0x0: {  	(pc) =	sbr.rel $0x88, $3  }
0x1: {  	(tag) =	ssettag $0x0;
	lr =	simm.s32 $0x1  }
0x2: {  	[smem:$0x3F9B] =	sst lr;
	_ =	strace $0xD0000000  }
0x3: {  	_ = 	snop  }
0x4: {  	_ = 	snop  }
0x5: {  	_ = 	snop  }
0x6: {  	_ = 	snop  }
0x7: {  	_ = 	snop  }
__scs_overlays_trampoline_lowered:
0x8: {  	[smem:$0x3FAA] =	sst s0  }
0x9: {  	[smem:$0x3FAB] =	sst s1  }
0xa: {  	[smem:$0x3FAC] =	sst s2  }
0xb: {  	[smem:$0x3FAD] =	sst s3  }
0xc: {  	[smem:$0x3FAE] =	sst s4  }
0xd: {  	[smem:$0x3FAF] =	sst s5  }
0xe: {  	[smem:$0x3FB0] =	sst s6  }
0xf: {  	[smem:$0x3FB1] =	sst s7  }
0x10: {  	[smem:$0x3FB2] =	sst s8  }
0x11: {  	[smem:$0x3FB3] =	sst s9;
	s0 =	simm.s32 @!p0 $0x0  }
0x12: {  	s1 =	sld [smem:$0x3F99];
	s0 =	simm.s32 @p0 $0x1  }
0x13: {  	[smem:$0x3FB4] =	sst s0;
	s0 =	simm.s32 @!p1 $0x0  }
0x14: {  	s2 =	sld [smem:$0x3F98];
	s0 =	simm.s32 @p1 $0x1  }
0x15: {  	[smem:$0x3FB5] =	sst s0;
	s0 =	simm.s32 @!p2 $0x0  }
0x16: {  	s3 =	sld [smem:$0x3FDB];
	s0 =	simm.s32 @p2 $0x1  }
0x17: {  	s4 =	simm.s32 $0x1BF5;
	[smem:$0x3FB7] =	sst s0  }
0x18: {  	s0 =	sld [smem:$0x3F9A];
	_ =	swait.ge [sflag:s4], $0x0  }
0x19: {  	s7 =	sld [smem:$0x3F9B]  }
0x1a: {  	s8 =	sadd.s32 $0xFFFFE003, lr  }
0x1b: {  	s9 =	sadd.s32 $0xFFFFFEF7, lr;
	s5 =	simm.s32 $0xFFFFFFFF;
	p2 =	slt.u32 s8, $0xFFFFF086  }
0x1c: {  	p1 =	slt.u32 s9, $0xF7A;
	s5 =	simm.s32 @!p2 $0x0  }
0x1d: {  	s5 =	simm.s32 @p1 $0x1;
	p0 =	seq.s32 s7, s2  }
0x1e: {  	s7 =	smul.u32 @!p0 $0xF7A, s2;
	p2 =	seq.s32 @!p0 s5, $0x0  }
0x1f: {  	s9 =	smul.u32 $0xF7A, s1;
	s8 =	simm.s32 @!p0 $0x1BF5;
	p2 =	por !p2, p0  }
0x20: {  	[sflag:s8] =	ssyncset.s32 @!p0 $0xFFFFF086;
	s6 =	sadd.s32 @!p0 s3, s7;
	s7 =	simm.s32 @!p0 $0x108  }
0x21: {  	s3 =	sadd.s32 s3, s9;
	s6 =	sadd.s32 @!p0 $0x88, s6;
	s7 =	simm.s32 @p2 $0x1082  }
0x22: {  	[simem:s7], [sflag:s8] =	dma.local @!p0 [hbm:s6], $0xF7A  }
0x23: {  	s9 =	sor.u32 $0xD0000000, s2;
	s6 =	simm.s32 $0x108;
	_ =	swait.ge @!p0 [sflag:s8], $0x0  }
0x24: {  	s3 =	sadd.s32 $0x88, s3;
	s6 =	simm.s32 @!p1 $0x1082;
	[sflag:s4] =	ssyncset.s32 $0xFFFFF086  }
0x25: {  	[simem:s6], [sflag:s4] =	dma.local [hbm:s3], $0xF7A  }
0x26: {  	[smem:$0x3F9B] =	sst s1;
	(tag) =	ssettag s2;
	_ =	strace s9  }
0x27: {  	s1 =	sld [smem:$0x3FAB]  }
0x28: {  	s2 =	sld [smem:$0x3FAC]  }
0x29: {  	s4 =	sld [smem:$0x3FAE]  }
0x2a: {  	p0 =	seq.s32 s5, $0x0;
	s5 =	sld [smem:$0x3FAF]  }
0x2b: {  	s6 =	sld [smem:$0x3FB0]  }
0x2c: {  	s7 =	sld [smem:$0x3FB1]  }
0x2d: {  	s3 =	simm.s32 $0x108;
	s8 =	sld [smem:$0x3FB2]  }
0x2e: {  	s3 =	simm.s32 @!p0 $0x1082;
	s9 =	sld [smem:$0x3FB3]  }
0x2f: {  	lr =	sadd.s32 s0, s3;
	s0 =	sld [smem:$0x3FAA]  }
0x30: {  	s3 =	sld [smem:$0x3FAD]  }
0x31: {  	[smem:$0x3FB6] =	sst s10  }
0x32: {  	s10 =	sld [smem:$0x3FB4];
	_ =	sdelay $0x3  }
0x33: {  	p0 =	seq.s32 s10, $0x1;
	s10 =	sld [smem:$0x3FB6];
	_ =	sdelay $0x3  }
0x34: {  	[smem:$0x3FB6] =	sst s10  }
0x35: {  	s10 =	sld [smem:$0x3FB5];
	_ =	sdelay $0x3  }
0x36: {  	p1 =	seq.s32 s10, $0x1;
	s10 =	sld [smem:$0x3FB6];
	_ =	sdelay $0x3  }
0x37: {  	[smem:$0x3FB6] =	sst s10  }
0x38: {  	s10 =	sld [smem:$0x3FB7]  }
0x39: {  	_ = 	snop;
	(pc) =	sbr.ind lr, $3  }
0x3a: {  	_ = 	snop  }
0x3b: {  	_ = 	snop  }
0x3c: {  	p2 =	seq.s32 s10, $0x1;
	s10 =	sld [smem:$0x3FB6]  }
0x3d: {  	_ =	shalt  }
0x3e: {  	_ =	shalt  }
0x3f: {  	_ =	shalt  }
0x40: {  	_ =	shalt  }
0x41: {  	_ =	shalt  }
0x42: {  	_ =	shalt  }
0x43: {  	_ =	shalt  }
0x44: {  	_ =	shalt  }
0x45: {  	_ =	shalt  }
0x46: {  	_ =	shalt  }
0x47: {  	_ =	shalt  }
0x48: {  	_ =	shalt  }
0x49: {  	_ =	shalt  }
0x4a: {  	_ =	shalt  }
0x4b: {  	_ =	shalt  }
0x4c: {  	_ =	shalt  }
0x4d: {  	_ =	shalt  }
0x4e: {  	_ =	shalt  }
0x4f: {  	_ =	shalt  }
0x50: {  	_ =	shalt  }
0x51: {  	_ =	shalt  }
0x52: {  	_ =	shalt  }
0x53: {  	_ =	shalt  }
0x54: {  	_ =	shalt  }
0x55: {  	_ =	shalt  }
0x56: {  	_ =	shalt  }
0x57: {  	_ =	shalt  }
0x58: {  	_ =	shalt  }
0x59: {  	_ =	shalt  }
0x5a: {  	_ =	shalt  }
0x5b: {  	_ =	shalt  }
0x5c: {  	_ =	shalt  }
0x5d: {  	_ =	shalt  }
0x5e: {  	_ =	shalt  }
0x5f: {  	_ =	shalt  }
0x60: {  	_ =	shalt  }
0x61: {  	_ =	shalt  }
0x62: {  	_ =	shalt  }
0x63: {  	_ =	shalt  }
0x64: {  	_ =	shalt  }
0x65: {  	_ =	shalt  }
0x66: {  	_ =	shalt  }
0x67: {  	_ =	shalt  }
0x68: {  	_ =	shalt  }
0x69: {  	_ =	shalt  }
0x6a: {  	_ =	shalt  }
0x6b: {  	_ =	shalt  }
0x6c: {  	_ =	shalt  }
0x6d: {  	_ =	shalt  }
0x6e: {  	_ =	shalt  }
0x6f: {  	_ =	shalt  }
0x70: {  	_ =	shalt  }
0x71: {  	_ =	shalt  }
0x72: {  	_ =	shalt  }
0x73: {  	_ =	shalt  }
0x74: {  	_ =	shalt  }
0x75: {  	_ =	shalt  }
0x76: {  	_ =	shalt  }
0x77: {  	_ =	shalt  }
0x78: {  	_ =	shalt  }
0x79: {  	_ =	shalt  }
0x7a: {  	_ =	shalt  }
0x7b: {  	_ =	shalt  }
0x7c: {  	_ =	shalt  }
0x7d: {  	_ =	shalt  }
0x7e: {  	_ =	shalt  }
0x7f: {  	_ =	shalt  }
0x80: {  	_ =	shalt  }
0x81: {  	_ =	shalt  }
0x82: {  	_ =	shalt  }
0x83: {  	_ =	shalt  }
0x84: {  	_ =	shalt  }
0x85: {  	_ =	shalt  }
0x86: {  	_ =	shalt  }
0x87: {  	_ =	shalt  }
.Lfunc_end0:
.L_simem_size_0:
called_computation_lowered:
.L_overlay_start_0:
0x88: {  	s2 =	sld [smem:$0x3FD9]  }
0x89: {  	s3 =	sld [smem:$0x3FFE];
	_ =	sdelay $0x1  }
0x8a: {  	s1 =	srdreg.scid  }
0x8b: {  	s0 =	sand.u32 $0x1, s1  }
0x8c: {  	s17 =	sshll.u32 s0, $0xA;
	s2 =	sadd.s32 s3, s2  }
0x8d: {  	s2 =	sadd.s32 s2, s17  }
0x8e: {  	[smem:$0x3FC2] =	sst s2  }
0x8f: {  	_ = 	snop  }
0x90: {  	s2 =	sld [smem:$0x3FD0];
	(tm) =	ssettm $0x1  }
0x91: {  	s18 =	sld [smem:$0x3FFB];
	_ =	sdelay $0x3  }
0x92: {  	_ =	strace s18  }
0x93: {  	s3 =	sld [smem:$0x3FFC];
	_ =	sdelay $0x3  }
0x94: {  	_ =	strace s3  }
0x95: {  	s3 =	sld [smem:$0x3FFD];
	_ =	sdelay $0x3  }
0x96: {  	_ =	strace s3  }
0x97: {  	_ =	strace $0x8FFFFFFF  }
0x98: {  	s19 =	sld [smem:$0x3FDB];
	_ =	sdelay $0x1  }
0x99: {  	s4 =	simm.s32 $_scs_section_size  }
0x9a: {  	s5 =	simm.s32 $_size__tile_overlayer_lowered;
	s6 =	simm.s32 $_tile_overlayer_lowered  }
0x9b: {  	s22 =	simm.s32 $0x1BFF;
	s21 =	sshll.u32 s6, $0x1;
	s3 =	sadd.s32 s4, s19  }
0x9c: {  	s7 =	simm.s32 $0x0;
	s20 =	sshll.u32 s5, $0x1;
	s5 =	sadd.s32 s21, s3  }
0x9d: {  	[timem:s7], [sflag:s22] =	dma.local [hbm:s5], s20  }
0x9e: {  	_ =	swait.ge [sflag:s22], s20  }
0x9f: {  	s4 =	ssub.s32 $0x0, s20;
	[sflag:s22] =	ssyncset.done $0x0  }
0xa0: {  	[sflag:s22] =	ssyncadd.s32 s4;
	_ =	sdelay $0x1  }
0xa1: {  	s23 =	simm.s32 $0x1B8B  }
0xa2: {  	_ =	swait.ge [sflag:s23], $0x1  }
0xa3: {  	[sflag:s23] =	ssyncset.done $0x0  }
0xa4: {  	s25 =	simm.s32 $0x1B8E;
	s24 =	sld [smem:$0x3FFE];
	[sflag:s23] =	ssyncadd.s32 $0xFFFFFFFF  }
0xa5: {  	s26 =	simm.s32 $execute0_lowered;
	[smem:$0x3FD2] =	sst s25  }
0xa6: {  	s5 =	sshll.u32 s26, $0x1;
	_ =	strace $0x80000046;
	[dreg:$0x1] =	wrdreg $0xFFFFFFFF  }
0xa7: {  	s28 =	simm.s32 $_size_execute0_lowered;
	s3 =	sadd.s32 s3, s5;
	[dreg:$0x0] =	wrdreg $0x0  }
0xa8: {  	s5 =	sshll.u32 s28, $0x1;
	[dreg:$0x2] =	wrdreg s3  }
0xa9: {  	[dreg:$0x3] =	wrdreg s5  }
0xaa: {  	[dreg:$0x4] =	wrdreg $0xC0  }
0xab: {  	_ =	task [dreg:s7], $0x5FFFF  }
0xac: {  	[dreg:$0x1] =	wrdreg $0xFFFFFFFF  }
0xad: {  	[dreg:$0x0] =	wrdreg $0x60  }
0xae: {  	[dreg:$0x2] =	wrdreg s24  }
0xaf: {  	[dreg:$0x3] =	wrdreg s2  }
0xb0: {  	[dreg:$0x4] =	wrdreg $0x50000  }
0xb1: {  	[dreg:$0x5] =	wrdreg $0x9  }
0xb2: {  	_ =	task.clear_ibuf [dreg:s7], $0x6FFFF;
	_ =	strace $0x90000046  }
0xb3: {  	s29 =	simm.s32 $0x9;
	_ =	strace $0x80000048  }
0xb4: {  	_ =	swait.ge [sflag:s29], $0x1  }
0xb5: {  	[sflag:s29] =	ssyncadd.s32 $0xFFFFFFFF  }
0xb6: {  	_ =	strace $0x90000048  }
0xb7: {  	_ =	sfence  }
0xb8: {  	s30 =	sld [smem:$0x0];
	_ =	sdelay $0x2  }
0xb9: {  	s31 =	sshll.u32 s1, $0xD;
	s1 =	sshrl.u32 s1, $0x2  }
0xba: {  	s3 =	sand.u32 $0x4000, s31;
	s1 =	sadd.s32 s1, s30  }
0xbb: {  	s0 =	sor.u32 s3, s0;
	s1 =	sshll.u32 s1, $0x11  }
0xbc: {  	s0 =	sor.u32 s1, s0  }
0xbd: {  	s0 =	sadd.s32 $0x8F2B, s0  }
0xbe: {  	[sflag:s0] =	ssyncadd.remote.s32 $0x1  }
0xbf: {  	_ =	sfence.sel $0xFFFF  }
0xc0: {  	[dreg:$0x0] =	wrdreg $0xFFFFFFFF;
	(pc) =	sbr.abs _section_cstart, $3  }
0xc1: {  	[dreg:$0x1] =	wrdreg $0xFFFFFFFF  }
0xc2: {  	_ =	task.clear_ibuf [dreg:s7], $0x2FFFF;
	_ =	strace $0x9FFFFFFF  }
0xc3: {  	(tm) =	ssettm $0x7FFFFFFF  }
tec
execute0_lowered:
.L_overlay_start_1:
0x0: {  	(tag) =	ssettag $0x1  }
0x1: {  	s9 =	rddreg [dreg:$0x0]  }
0x2: {  	s28 =	rddreg [dreg:$0x1]  }
0x3: {  	s3 =	srdreg.scid;
	s1 =	stileid.u32  }
0x4: {  	s2 =	rddreg [dreg:$0x2];
	s29 =	sand.u32 $0x1, s3;
	s4 =	smul.u32 $0x2780, s1  }
0x5: {  	s3 =	simm.s32 $0x0;
	s6 =	sshll.u32 s1, $0x4;
	s5 =	sshll.u32 s29, $0x8  }
0x6: {  	s31 =	sshll.u32 s1, $0x6;
	[smem:$0x7FF] =	sst s3;
	s5 =	sor.u32 s6, s5  }
0x7: {  	s25 =	sshrl.u32 s4, $0x3;
	_ =	strace $0x80000047;
	s30 =	sadd.s32 s4, s2  }
0x8: {  	s6 =	simm.s32 $0x2;
	s8 =	smul.u32 $0x50, s5;
	s26 =	sadd.s32 s25, s9  }
0x9: {  	s5 =	sor.u32 $0x1C02, s31;
	s7 =	sshrl.u32 s30, $0x3;
	s4 =	sadd.s32 $0xB600, s26  }
0xa: {  	[spmem:s7], [sflag:s5] =	dma.local [hbm:s4], $0x4F0  }
0xb: {  	_ =	swait.ge [sflag:s6], $0x4F0  }
0xc: {  	s8 =	sadd.s32 s8, s9;
	[sflag:s6] =	ssyncset.done $0x0  }
0xd: {  	s8 =	sadd.s32 $0x1600, s8;
	[sflag:s6] =	ssyncadd.s32 $0xFFFFFB10  }
0xe: {  	[tilespmem:s3], [sflag:$0x2] =	stream.linear.gather [hbm4b:s8+s3], $0x2800, $0x38;
	[tilespmem:$0x7780] =	vst v63  }
0xf: {  	_ =	swait.ge [sflag:s6], $0x2800  }
0x10: {  	[sflag:s6] =	ssyncset.done $0x0  }
0x11: {  	s10 =	simm.s32 $0x2800;
	s9 =	sadd.s32 $0x10600, s9;
	[sflag:s6] =	ssyncadd.s32 $0xFFFFD800  }
0x12: {  	[tilespmem:s10], [sflag:$0x2] =	stream.linear.gather [hbm4b:s9+s3], $0x2800, $0x38;
	[tilespmem:$0x7780] =	vst v63  }
0x13: {  	_ =	swait.ge [sflag:s6], $0x2800  }
0x14: {  	[sflag:s6] =	ssyncset.done $0x0  }
0x15: {  	[sflag:s6] =	ssyncadd.s32 $0xFFFFD800  }
0x16: {  	s11 =	simm.s32 $0x280;
	[bflag:$0x0] =	sbarrier.arrive $0xFFFF  }
0x17: {  	[spmem:s2] =	stream.indirect.scatter.add.f32 [tilespmem:s10], [sflag:$0x1], $0x10, s3, s11, $0xb8;
	[tilespmem:$0x7780] =	vst v63  }
0x18: {  	_ = 	snop  }
0x19: {  	[spmem:s2] =	stream.indirect.scatter.add.f32 [tilespmem:s10], [sflag:$0x1], $0x10, s11, s11, $0xb8;
	[tilespmem:$0x7780] =	vst v63  }
0x1a: {  	s12 =	simm.s32 $0x500  }
0x1b: {  	[spmem:s2] =	stream.indirect.scatter.add.f32 [tilespmem:s10], [sflag:$0x1], $0x10, s12, s11, $0xb8;
	[tilespmem:$0x7780] =	vst v63  }
0x1c: {  	s13 =	simm.s32 $0x780  }
0x1d: {  	[spmem:s2] =	stream.indirect.scatter.add.f32 [tilespmem:s10], [sflag:$0x1], $0x10, s13, s11, $0xb8;
	[tilespmem:$0x7780] =	vst v63  }
0x1e: {  	s14 =	simm.s32 $0xA00  }
0x1f: {  	[spmem:s2] =	stream.indirect.scatter.add.f32 [tilespmem:s10], [sflag:$0x1], $0x10, s14, s11, $0xb8;
	[tilespmem:$0x7780] =	vst v63  }
0x20: {  	s15 =	simm.s32 $0xC80  }
0x21: {  	[spmem:s2] =	stream.indirect.scatter.add.f32 [tilespmem:s10], [sflag:$0x1], $0x10, s15, s11, $0xb8;
	[tilespmem:$0x7780] =	vst v63  }
0x22: {  	s16 =	simm.s32 $0xF00  }
0x23: {  	[spmem:s2] =	stream.indirect.scatter.add.f32 [tilespmem:s10], [sflag:$0x1], $0x10, s16, s11, $0xb8;
	[tilespmem:$0x7780] =	vst v63  }
0x24: {  	s17 =	simm.s32 $0x1180  }
0x25: {  	[spmem:s2] =	stream.indirect.scatter.add.f32 [tilespmem:s10], [sflag:$0x1], $0x10, s17, s11, $0xb8;
	[tilespmem:$0x7780] =	vst v63  }
0x26: {  	s18 =	simm.s32 $0x1400  }
0x27: {  	[spmem:s2] =	stream.indirect.scatter.add.f32 [tilespmem:s10], [sflag:$0x1], $0x10, s18, s11, $0xb8;
	[tilespmem:$0x7780] =	vst v63  }
0x28: {  	s19 =	simm.s32 $0x1680  }
0x29: {  	[spmem:s2] =	stream.indirect.scatter.add.f32 [tilespmem:s10], [sflag:$0x1], $0x10, s19, s11, $0xb8;
	[tilespmem:$0x7780] =	vst v63  }
0x2a: {  	s20 =	simm.s32 $0x1900  }
0x2b: {  	[spmem:s2] =	stream.indirect.scatter.add.f32 [tilespmem:s10], [sflag:$0x1], $0x10, s20, s11, $0xb8;
	[tilespmem:$0x7780] =	vst v63  }
0x2c: {  	s21 =	simm.s32 $0x1B80  }
0x2d: {  	[spmem:s2] =	stream.indirect.scatter.add.f32 [tilespmem:s10], [sflag:$0x1], $0x10, s21, s11, $0xb8;
	[tilespmem:$0x7780] =	vst v63  }
0x2e: {  	s22 =	simm.s32 $0x1E00  }
0x2f: {  	[spmem:s2] =	stream.indirect.scatter.add.f32 [tilespmem:s10], [sflag:$0x1], $0x10, s22, s11, $0xb8;
	[tilespmem:$0x7780] =	vst v63  }
0x30: {  	s23 =	simm.s32 $0x2080  }
0x31: {  	[spmem:s2] =	stream.indirect.scatter.add.f32 [tilespmem:s10], [sflag:$0x1], $0x10, s23, s11, $0xb8;
	[tilespmem:$0x7780] =	vst v63  }
0x32: {  	s24 =	simm.s32 $0x2300  }
0x33: {  	[spmem:s2] =	stream.indirect.scatter.add.f32 [tilespmem:s10], [sflag:$0x1], $0x10, s24, s11, $0xb8;
	[tilespmem:$0x7780] =	vst v63  }
0x34: {  	s25 =	simm.s32 $0x2580;
	s26 =	simm.s32 $0x1  }
0x35: {  	[spmem:s2] =	stream.indirect.scatter.add.f32 [tilespmem:s10], [sflag:$0x1], $0x10, s25, s11, $0xb8;
	[tilespmem:$0x7780] =	vst v63  }
0x36: {  	_ =	swait.ge [sflag:s26], $0x2800  }
0x37: {  	[sflag:s26] =	ssyncset.done $0x0  }
0x38: {  	[sflag:s26] =	ssyncadd.s32 $0xFFFFD800  }
0x39: {  	_ =	swait.ge [sflag:s26], $0x2800  }
0x3a: {  	[sflag:s26] =	ssyncset.done $0x0  }
0x3b: {  	[sflag:s26] =	ssyncadd.s32 $0xFFFFD800  }
0x3c: {  	_ =	swait.ge [sflag:s26], $0x2800  }
0x3d: {  	[sflag:s26] =	ssyncset.done $0x0  }
0x3e: {  	[sflag:s26] =	ssyncadd.s32 $0xFFFFD800  }
0x3f: {  	_ =	swait.ge [sflag:s26], $0x2800  }
0x40: {  	[sflag:s26] =	ssyncset.done $0x0  }
0x41: {  	[sflag:s26] =	ssyncadd.s32 $0xFFFFD800  }
0x42: {  	_ =	swait.ge [sflag:s26], $0x2800  }
0x43: {  	[sflag:s26] =	ssyncset.done $0x0  }
0x44: {  	[sflag:s26] =	ssyncadd.s32 $0xFFFFD800  }
0x45: {  	_ =	swait.ge [sflag:s26], $0x2800  }
0x46: {  	[sflag:s26] =	ssyncset.done $0x0  }
0x47: {  	[sflag:s26] =	ssyncadd.s32 $0xFFFFD800  }
0x48: {  	_ =	swait.ge [sflag:s26], $0x2800  }
0x49: {  	[sflag:s26] =	ssyncset.done $0x0  }
0x4a: {  	[sflag:s26] =	ssyncadd.s32 $0xFFFFD800  }
0x4b: {  	_ =	swait.ge [sflag:s26], $0x2800  }
0x4c: {  	[sflag:s26] =	ssyncset.done $0x0  }
0x4d: {  	[sflag:s26] =	ssyncadd.s32 $0xFFFFD800  }
0x4e: {  	_ =	swait.ge [sflag:s26], $0x2800  }
0x4f: {  	[sflag:s26] =	ssyncset.done $0x0  }
0x50: {  	[sflag:s26] =	ssyncadd.s32 $0xFFFFD800  }
0x51: {  	_ =	swait.ge [sflag:s26], $0x2800  }
0x52: {  	[sflag:s26] =	ssyncset.done $0x0  }
0x53: {  	[sflag:s26] =	ssyncadd.s32 $0xFFFFD800  }
0x54: {  	_ =	swait.ge [sflag:s26], $0x2800  }
0x55: {  	[sflag:s26] =	ssyncset.done $0x0  }
0x56: {  	[sflag:s26] =	ssyncadd.s32 $0xFFFFD800  }
0x57: {  	_ =	swait.ge [sflag:s26], $0x2800  }
0x58: {  	[sflag:s26] =	ssyncset.done $0x0  }
0x59: {  	[sflag:s26] =	ssyncadd.s32 $0xFFFFD800  }
0x5a: {  	_ =	swait.ge [sflag:s26], $0x2800  }
0x5b: {  	[sflag:s26] =	ssyncset.done $0x0  }
0x5c: {  	[sflag:s26] =	ssyncadd.s32 $0xFFFFD800  }
0x5d: {  	_ =	swait.ge [sflag:s26], $0x2800  }
0x5e: {  	[sflag:s26] =	ssyncset.done $0x0  }
0x5f: {  	[sflag:s26] =	ssyncadd.s32 $0xFFFFD800  }
0x60: {  	s30 =	smul.u32 $0x4F00, s29;
	s29 =	ssub.s32 $0x2, s29;
	_ =	swait.ge [sflag:s26], $0x2800  }
0x61: {  	s0 =	sshrl.u32 s29, $0x1;
	[sflag:s26] =	ssyncset.done $0x0  }
0x62: {  	s0 =	ssub.s32 s29, s0;
	[sflag:s26] =	ssyncadd.s32 $0xFFFFD800  }
0x63: {  	s31 =	smul.u32 $0x4F0, s1;
	s0 =	smax.u32 s0, $0x1;
	_ =	swait.ge [sflag:s26], $0x2800  }
0x64: {  	p0 =	sne.s32 s0, $0x1;
	[sflag:s26] =	ssyncset.done $0x0  }
.Ltmp0:
0x65: {  	s29 =	sadd.s32 s31, s30;
	[sflag:s26] =	ssyncadd.s32 $0xFFFFD800;
	(pc) =	sbr.rel @!p0 .LBB2_2-.Ltmp0, $4  }
0x66: {  	s28 =	sadd.s32 s28, s29;
	[bflag:$0x0] =	sbarrier.arrive $0xFFFF  }
0x67: {  	[hbm:s28], [sflag:s5] =	dma.local [spmem:s7], $0x4F0  }
0x68: {  	_ =	swait.ge [sflag:s6], $0x4F0  }
0x69: {  	s29 =	sadd.s32 $0xFFFFFFFF, s0;
	[sflag:s6] =	ssyncset.done $0x0  }
.LBB2_1:
0x6a: {  	p0 =	sne.s32 s29, $0x1;
	s29 =	sadd.s32 $0xFFFFFFFF, s29;
	[sflag:s6] =	ssyncadd.s32 $0xFFFFFB10  }
0x6b: {  	[spmem:s7], [sflag:s5] =	dma.local [hbm:s4], $0x4F0  }
0x6c: {  	_ =	swait.ge [sflag:s6], $0x4F0  }
0x6d: {  	[sflag:s6] =	ssyncset.done $0x0  }
0x6e: {  	[sflag:s6] =	ssyncadd.s32 $0xFFFFFB10  }
0x6f: {  	[tilespmem:s3], [sflag:$0x2] =	stream.linear.gather [hbm4b:s8+s3], $0x2800, $0x38;
	[tilespmem:$0x7780] =	vst v63  }
0x70: {  	_ =	swait.ge [sflag:s6], $0x2800  }
0x71: {  	[sflag:s6] =	ssyncset.done $0x0  }
0x72: {  	[sflag:s6] =	ssyncadd.s32 $0xFFFFD800  }
0x73: {  	[tilespmem:s10], [sflag:$0x2] =	stream.linear.gather [hbm4b:s9+s3], $0x2800, $0x38;
	[tilespmem:$0x7780] =	vst v63  }
0x74: {  	_ =	swait.ge [sflag:s6], $0x2800  }
0x75: {  	[sflag:s6] =	ssyncset.done $0x0  }
0x76: {  	[sflag:s6] =	ssyncadd.s32 $0xFFFFD800  }
0x77: {  	[bflag:$0x0] =	sbarrier.arrive $0xFFFF  }
0x78: {  	[spmem:s2] =	stream.indirect.scatter.add.f32 [tilespmem:s10], [sflag:$0x1], $0x10, s3, s11, $0xb8;
	[tilespmem:$0x7780] =	vst v63  }
0x79: {  	_ = 	snop  }
0x7a: {  	[spmem:s2] =	stream.indirect.scatter.add.f32 [tilespmem:s10], [sflag:$0x1], $0x10, s11, s11, $0xb8;
	[tilespmem:$0x7780] =	vst v63  }
0x7b: {  	_ = 	snop  }
0x7c: {  	[spmem:s2] =	stream.indirect.scatter.add.f32 [tilespmem:s10], [sflag:$0x1], $0x10, s12, s11, $0xb8;
	[tilespmem:$0x7780] =	vst v63  }
0x7d: {  	_ = 	snop  }
0x7e: {  	[spmem:s2] =	stream.indirect.scatter.add.f32 [tilespmem:s10], [sflag:$0x1], $0x10, s13, s11, $0xb8;
	[tilespmem:$0x7780] =	vst v63  }
0x7f: {  	_ = 	snop  }
0x80: {  	[spmem:s2] =	stream.indirect.scatter.add.f32 [tilespmem:s10], [sflag:$0x1], $0x10, s14, s11, $0xb8;
	[tilespmem:$0x7780] =	vst v63  }
0x81: {  	_ = 	snop  }
0x82: {  	[spmem:s2] =	stream.indirect.scatter.add.f32 [tilespmem:s10], [sflag:$0x1], $0x10, s15, s11, $0xb8;
	[tilespmem:$0x7780] =	vst v63  }
0x83: {  	_ = 	snop  }
0x84: {  	[spmem:s2] =	stream.indirect.scatter.add.f32 [tilespmem:s10], [sflag:$0x1], $0x10, s16, s11, $0xb8;
	[tilespmem:$0x7780] =	vst v63  }
0x85: {  	_ = 	snop  }
0x86: {  	[spmem:s2] =	stream.indirect.scatter.add.f32 [tilespmem:s10], [sflag:$0x1], $0x10, s17, s11, $0xb8;
	[tilespmem:$0x7780] =	vst v63  }
0x87: {  	_ = 	snop  }
0x88: {  	[spmem:s2] =	stream.indirect.scatter.add.f32 [tilespmem:s10], [sflag:$0x1], $0x10, s18, s11, $0xb8;
	[tilespmem:$0x7780] =	vst v63  }
0x89: {  	_ = 	snop  }
0x8a: {  	[spmem:s2] =	stream.indirect.scatter.add.f32 [tilespmem:s10], [sflag:$0x1], $0x10, s19, s11, $0xb8;
	[tilespmem:$0x7780] =	vst v63  }
0x8b: {  	_ = 	snop  }
0x8c: {  	[spmem:s2] =	stream.indirect.scatter.add.f32 [tilespmem:s10], [sflag:$0x1], $0x10, s20, s11, $0xb8;
	[tilespmem:$0x7780] =	vst v63  }
0x8d: {  	_ = 	snop  }
0x8e: {  	[spmem:s2] =	stream.indirect.scatter.add.f32 [tilespmem:s10], [sflag:$0x1], $0x10, s21, s11, $0xb8;
	[tilespmem:$0x7780] =	vst v63  }
0x8f: {  	_ = 	snop  }
0x90: {  	[spmem:s2] =	stream.indirect.scatter.add.f32 [tilespmem:s10], [sflag:$0x1], $0x10, s22, s11, $0xb8;
	[tilespmem:$0x7780] =	vst v63  }
0x91: {  	_ = 	snop  }
0x92: {  	[spmem:s2] =	stream.indirect.scatter.add.f32 [tilespmem:s10], [sflag:$0x1], $0x10, s23, s11, $0xb8;
	[tilespmem:$0x7780] =	vst v63  }
0x93: {  	_ = 	snop  }
0x94: {  	[spmem:s2] =	stream.indirect.scatter.add.f32 [tilespmem:s10], [sflag:$0x1], $0x10, s24, s11, $0xb8;
	[tilespmem:$0x7780] =	vst v63  }
0x95: {  	_ = 	snop  }
0x96: {  	[spmem:s2] =	stream.indirect.scatter.add.f32 [tilespmem:s10], [sflag:$0x1], $0x10, s25, s11, $0xb8;
	[tilespmem:$0x7780] =	vst v63  }
0x97: {  	_ =	swait.ge [sflag:s26], $0x2800  }
0x98: {  	[sflag:s26] =	ssyncset.done $0x0  }
0x99: {  	[sflag:s26] =	ssyncadd.s32 $0xFFFFD800  }
0x9a: {  	_ =	swait.ge [sflag:s26], $0x2800  }
0x9b: {  	[sflag:s26] =	ssyncset.done $0x0  }
0x9c: {  	[sflag:s26] =	ssyncadd.s32 $0xFFFFD800  }
0x9d: {  	_ =	swait.ge [sflag:s26], $0x2800  }
0x9e: {  	[sflag:s26] =	ssyncset.done $0x0  }
0x9f: {  	[sflag:s26] =	ssyncadd.s32 $0xFFFFD800  }
0xa0: {  	_ =	swait.ge [sflag:s26], $0x2800  }
0xa1: {  	[sflag:s26] =	ssyncset.done $0x0  }
0xa2: {  	[sflag:s26] =	ssyncadd.s32 $0xFFFFD800  }
0xa3: {  	_ =	swait.ge [sflag:s26], $0x2800  }
0xa4: {  	[sflag:s26] =	ssyncset.done $0x0  }
0xa5: {  	[sflag:s26] =	ssyncadd.s32 $0xFFFFD800  }
0xa6: {  	_ =	swait.ge [sflag:s26], $0x2800  }
0xa7: {  	[sflag:s26] =	ssyncset.done $0x0  }
0xa8: {  	[sflag:s26] =	ssyncadd.s32 $0xFFFFD800  }
0xa9: {  	_ =	swait.ge [sflag:s26], $0x2800  }
0xaa: {  	[sflag:s26] =	ssyncset.done $0x0  }
0xab: {  	[sflag:s26] =	ssyncadd.s32 $0xFFFFD800  }
0xac: {  	_ =	swait.ge [sflag:s26], $0x2800  }
0xad: {  	[sflag:s26] =	ssyncset.done $0x0  }
0xae: {  	[sflag:s26] =	ssyncadd.s32 $0xFFFFD800  }
0xaf: {  	_ =	swait.ge [sflag:s26], $0x2800  }
0xb0: {  	[sflag:s26] =	ssyncset.done $0x0  }
0xb1: {  	[sflag:s26] =	ssyncadd.s32 $0xFFFFD800  }
0xb2: {  	_ =	swait.ge [sflag:s26], $0x2800  }
0xb3: {  	[sflag:s26] =	ssyncset.done $0x0  }
0xb4: {  	[sflag:s26] =	ssyncadd.s32 $0xFFFFD800  }
0xb5: {  	_ =	swait.ge [sflag:s26], $0x2800  }
0xb6: {  	[sflag:s26] =	ssyncset.done $0x0  }
0xb7: {  	[sflag:s26] =	ssyncadd.s32 $0xFFFFD800  }
0xb8: {  	_ =	swait.ge [sflag:s26], $0x2800  }
0xb9: {  	[sflag:s26] =	ssyncset.done $0x0  }
0xba: {  	[sflag:s26] =	ssyncadd.s32 $0xFFFFD800  }
0xbb: {  	_ =	swait.ge [sflag:s26], $0x2800  }
0xbc: {  	[sflag:s26] =	ssyncset.done $0x0  }
0xbd: {  	[sflag:s26] =	ssyncadd.s32 $0xFFFFD800  }
0xbe: {  	_ =	swait.ge [sflag:s26], $0x2800  }
0xbf: {  	[sflag:s26] =	ssyncset.done $0x0  }
0xc0: {  	[sflag:s26] =	ssyncadd.s32 $0xFFFFD800  }
0xc1: {  	_ =	swait.ge [sflag:s26], $0x2800  }
0xc2: {  	[sflag:s26] =	ssyncset.done $0x0  }
0xc3: {  	[sflag:s26] =	ssyncadd.s32 $0xFFFFD800  }
0xc4: {  	_ =	swait.ge [sflag:s26], $0x2800  }
0xc5: {  	[sflag:s26] =	ssyncset.done $0x0  }
.Ltmp1:
0xc6: {  	[sflag:s26] =	ssyncadd.s32 $0xFFFFD800;
	(pc) =	sbr.rel @p0 .LBB2_1-.Ltmp1, $4  }
0xc7: {  	[bflag:$0x0] =	sbarrier.arrive $0xFFFF  }
0xc8: {  	[hbm:s28], [sflag:s5] =	dma.local [spmem:s7], $0x4F0  }
0xc9: {  	_ =	swait.ge [sflag:s6], $0x4F0  }
0xca: {  	[sflag:s6] =	ssyncset.done $0x0  }
.LBB2_2:
0xcb: {  	[sflag:s6] =	ssyncadd.s32 $0xFFFFFB10  }
0xcc: {  	_ =	sfence.sel $0x180000  }
0xcd: {  	[bflag:$0x0] =	sbarrier.arrive $0xFFFF  }
0xce: {  	_ =	strace $0x90000047  }
0xcf: {  	[bflag:$0x2] =	sbarrier.arrive $0xFFFF  }
0xd0: {  	p0 =	sne.s32 s1, $0x0;
	s0 =	rddreg [dreg:$0x3]  }
0xd1: {  	s0 =	sadd.s32 @!p0 $0x100000, s0  }
0xd2: {  	[sflag:s0] =	ssyncadd.tile.s32 @!p0 $0x1;
	_ =	shalt  }
.Lfunc_end2:
_tile_overlayer_lowered:
.L_overlay_start_2:
0xd3: {  	(tag) =	ssettag $0x2  }
0xd4: {  	s0 =	rddreg [dreg:$0x0];
	s2 =	stileid.u32  }
0xd5: {  	s1 =	rddreg [dreg:$0x1];
	p0 =	sne.s32 s2, $0x0  }
0xd6: {  	s3 =	rddreg [dreg:$0x2];
	[bflag:$0x3] =	sbarrier.arrive $0xFFFF;
	s2 =	simm.s32 @!p0 $0x1C02  }
0xd7: {  	[timem:s3], [sflag:s2] =	dma.local @!p0 [hbm:s0], s1  }
0xd8: {  	s0 =	simm.s32 @!p0 $0x2  }
0xd9: {  	_ =	swait.ge @!p0 [sflag:s0], s1  }
0xda: {  	s1 =	ssub.s32 @!p0 $0x0, s1;
	[sflag:s0] =	ssyncset.done @!p0 $0x0  }
0xdb: {  	[sflag:s0] =	ssyncadd.s32 @!p0 s1  }
0xdc: {  	[bflag:$0x3] =	sbarrier.arrive $0xFFFF  }
0xdd: {  	_ =	shalt  }

</sc_bundles>
